<compile_context>
chip_gen: v7x
topology: tpu7x:2x2x1
jax: 0.10.2.dev20260603
libtpu: 0.0.44.dev20260713+nightly
codegen_flags: <defaults>
</compile_context>

<pallas_src>
import functools

import jax
import jax.numpy as jnp
from jax import lax
from jax.experimental import pallas as pl
from jax.experimental.pallas import tpu as pltpu
from jax.experimental.pallas import tpu_sc as plsc

_NC = 2
_NS = 16
_NW = _NC * _NS


@functools.lru_cache(maxsize=None)
def _build_gather(V, D, N, C):
    assert N % _NW == 0
    b_per_w = N // _NW
    assert b_per_w % C == 0 and C % 8 == 0
    nchunks = b_per_w // C
    assert nchunks % 2 == 0

    NBUF = 5
    assert nchunks % NBUF == 0 and nchunks >= NBUF

    mesh = plsc.VectorSubcoreMesh(
        core_axis_name="c", subcore_axis_name="s",
        num_cores=_NC, num_subcores=_NS,
    )

    @functools.partial(
        pl.kernel,
        mesh=mesh,
        out_type=jax.ShapeDtypeStruct((N, D), jnp.float32),
        scratch_types=[
            pltpu.VMEM((b_per_w,), jnp.int32),
            pltpu.VMEM((NBUF, C, D), jnp.float32),
            [pltpu.SemaphoreType.DMA] * NBUF,
            [pltpu.SemaphoreType.DMA] * NBUF,
        ],
    )
    def k(table_hbm, idx_hbm, out_hbm, idx_v, rows_v, gsem, ssem):
        wid = lax.axis_index("s") * _NC + lax.axis_index("c")
        base = wid * b_per_w
        pltpu.sync_copy(idx_hbm.at[pl.ds(base, b_per_w)], idx_v)

        def gather(j, b):
            return pltpu.make_async_copy(
                table_hbm.at[idx_v.at[pl.ds(j * C, C)]], rows_v.at[b], gsem[b]
            )

        def issue(j, b):
            gather(j, b).start()

        def wait_gather(j, b):
            gather(j, b).wait()

        def store(j, b):
            off = base + j * C
            return pltpu.make_async_copy(
                rows_v.at[b], out_hbm.at[pl.ds(off, C)], ssem[b]
            )

        for b in range(NBUF - 1):
            issue(b, b)

        def ring_body(i, carry):
            for bb in range(NBUF):
                j = i * NBUF + bb
                jn = j + NBUF - 1
                bn = (bb + NBUF - 1) % NBUF

                @pl.when(jn < nchunks)
                def _():
                    @pl.when(jn >= NBUF)
                    def _():
                        store(jn - NBUF, bn).wait()

                    issue(jn, bn)

                wait_gather(j, bb)
                store(j, bb).start()
            return carry

        lax.fori_loop(0, nchunks // NBUF, ring_body, 0)

        for j in range(nchunks - NBUF, nchunks):
            store(j, j % NBUF).wait()

    return k


def kernel(input_ids, embedding_weight):
    B, S = input_ids.shape
    V, D = embedding_weight.shape
    N = B * S
    idx = input_ids.reshape(N).astype(jnp.int32)
    out = _build_gather(V, D, N, 128)(embedding_weight, idx)
    return out.reshape(B, S, D)

# --- scband reference (transcript-rebuilt; emitter-appended) ---
"""Pipeline reference for scband-vanilla-embedder-58729382805614 (READ-ONLY COPY).

The authoritative reference and input builder live on the scoring server;
editing this copy changes nothing except your own understanding.
"""

import jax, jax.numpy as jnp
import numpy as np

VOCAB = 100000
EMBED_DIM = 128
BATCH = 4096
SEQ = 200

def setup_inputs(seed: int = 0) -> dict:
    key = jax.random.key(seed)
    k_idx, k_w = jax.random.split(key)
    input_ids = jax.random.randint(k_idx, (BATCH, SEQ), 0, VOCAB, dtype=jnp.int64 if jax.config.read('jax_enable_x64') else jnp.int32)
    # embedding table initialized with std=0.02 per init_weights()
    embedding_weight = jax.random.normal(k_w, (VOCAB, EMBED_DIM), dtype=jnp.float32) * 0.02
    return {"input_ids": input_ids, "embedding_weight": embedding_weight}

def reference(input_ids, embedding_weight):
    # Faithful translation of VanillaEmbedder.forward with return_datum_lens=False:
    # embeddings = self.embedding(input_ids)
    embeddings = jnp.take(embedding_weight, input_ids, axis=0)
    return embeddings

if __name__ == "__main__":
    import jax
    _d = setup_inputs()
    print(jax.jit(kernel)(*tuple(_d.values())))

</pallas_src>

<mosaic_0001>
#map = affine_map<(d0, d1) -> (0, 0)>
#map1 = affine_map<(d0, d1) -> (0)>
module attributes {stable_mosaic.version = 14 : i64} {
  func.func @k(%arg0: i32, %arg1: i32, %arg2: memref<100000x128xf32, #tpu.memory_space<hbm>>, %arg3: memref<819200xi32, #tpu.memory_space<hbm>>, %arg4: memref<819200x128xf32, #tpu.memory_space<hbm>>, %arg5: memref<25600xi32, #tpu.memory_space<vmem>>, %arg6: memref<5x128x128xf32, #tpu.memory_space<vmem>>, %arg7: memref<!tpu.dma_semaphore, #tpu.memory_space<semaphore_mem>>, %arg8: memref<!tpu.dma_semaphore, #tpu.memory_space<semaphore_mem>>, %arg9: memref<!tpu.dma_semaphore, #tpu.memory_space<semaphore_mem>>, %arg10: memref<!tpu.dma_semaphore, #tpu.memory_space<semaphore_mem>>, %arg11: memref<!tpu.dma_semaphore, #tpu.memory_space<semaphore_mem>>, %arg12: memref<!tpu.dma_semaphore, #tpu.memory_space<semaphore_mem>>, %arg13: memref<!tpu.dma_semaphore, #tpu.memory_space<semaphore_mem>>, %arg14: memref<!tpu.dma_semaphore, #tpu.memory_space<semaphore_mem>>, %arg15: memref<!tpu.dma_semaphore, #tpu.memory_space<semaphore_mem>>, %arg16: memref<!tpu.dma_semaphore, #tpu.memory_space<semaphore_mem>>) attributes {dimension_semantics = [#tpu.dimension_semantics<core_parallel>, #tpu.dimension_semantics<subcore_parallel>], iteration_bounds = array<i64: 2, 16>, scalar_prefetch = 0 : i64, scratch_operands = 12 : i64, tpu.core_type = #tpu.core_type<sc_vector_subcore>, window_params = [{transform_indices = #map}, {transform_indices = #map1}, {transform_indices = #map}]} {
    %mul3A = arith.constant 2 : i32
    %mul3A_0 = arith.muli %arg1, %mul3A : i32
    %add3A = arith.addi %mul3A_0, %arg0 : i32
    %mul3A_1 = arith.constant 25600 : i32
    %mul3A_2 = arith.muli %add3A, %mul3A_1 : i32
    "tpu.region"() ({
      %run_scoped3A = tpu.sem_alloc : memref<!tpu.dma_semaphore, #tpu.memory_space<semaphore_mem>>
      %dma_start3A_121 = tpu.memref_slice %arg3[%mul3A_2] : memref<819200xi32, #tpu.memory_space<hbm>> -> memref<25600xi32, #tpu.memory_space<hbm>>
      %dma_start3A_122 = tpu.memref_slice %arg3[%mul3A_2] : memref<819200xi32, #tpu.memory_space<hbm>> -> memref<25600xi32, #tpu.memory_space<hbm>>
      tpu.enqueue_dma source(%dma_start3A_122 : memref<25600xi32, #tpu.memory_space<hbm>>) target(%arg5 : memref<25600xi32, #tpu.memory_space<vmem>>) target_semaphore(%run_scoped3A : memref<!tpu.dma_semaphore, #tpu.memory_space<semaphore_mem>>)
      %dma_wait3A_123 = tpu.memref_slice %arg3[%mul3A_2] : memref<819200xi32, #tpu.memory_space<hbm>> -> memref<25600xi32, #tpu.memory_space<hbm>>
      %dma_wait3A_124 = tpu.memref_slice %arg3[%mul3A_2] : memref<819200xi32, #tpu.memory_space<hbm>> -> memref<25600xi32, #tpu.memory_space<hbm>>
      tpu.wait_dma2 semaphore(%run_scoped3A : memref<!tpu.dma_semaphore, #tpu.memory_space<semaphore_mem>>) src(%dma_wait3A_124 : memref<25600xi32, #tpu.memory_space<hbm>>) dst(%arg5 : memref<25600xi32, #tpu.memory_space<vmem>>)
      tpu.yield
    }) : () -> ()
    %dma_start3A = arith.constant 0 : i32
    %dma_start3A_3 = arith.constant 0 : i32
    %dma_start3A_4 = arith.constant 0 : i32
    %dma_start3A_5 = tpu.memref_slice %arg6[%dma_start3A, %dma_start3A_3, %dma_start3A_4] : memref<5x128x128xf32, #tpu.memory_space<vmem>> -> memref<1x128x128xf32, #tpu.memory_space<vmem>>
    %dma_start3A_6 = tpu.memref_squeeze %dma_start3A_5 : memref<1x128x128xf32, #tpu.memory_space<vmem>> -> memref<128x128xf32, #tpu.memory_space<vmem>>
    %dma_start3A_7 = arith.constant 0 : i32
    %dma_start3A_8 = tpu.memref_slice %arg5[%dma_start3A_7] : memref<25600xi32, #tpu.memory_space<vmem>> -> memref<128xi32, #tpu.memory_space<vmem>>
    %dma_start3A_9 = arith.constant 0 : i32
    %dma_start3A_10 = arith.constant 0 : i32
    %dma_start3A_11 = tpu.memref_slice %arg2[%dma_start3A_9, %dma_start3A_10] : memref<100000x128xf32, #tpu.memory_space<hbm>> -> memref<100000x128xf32, #tpu.memory_space<hbm>>
    tpu.enqueue_indirect_dma source(%dma_start3A_11 : memref<100000x128xf32, #tpu.memory_space<hbm>>) target(%dma_start3A_6 : memref<128x128xf32, #tpu.memory_space<vmem>>) offsets(%dma_start3A_8 : memref<128xi32, #tpu.memory_space<vmem>>) semaphore(%arg7 : memref<!tpu.dma_semaphore, #tpu.memory_space<semaphore_mem>>)
    %dma_start3A_12 = arith.constant 1 : i32
    %dma_start3A_13 = arith.constant 0 : i32
    %dma_start3A_14 = arith.constant 0 : i32
    %dma_start3A_15 = tpu.memref_slice %arg6[%dma_start3A_12, %dma_start3A_13, %dma_start3A_14] : memref<5x128x128xf32, #tpu.memory_space<vmem>> -> memref<1x128x128xf32, #tpu.memory_space<vmem>>
    %dma_start3A_16 = tpu.memref_squeeze %dma_start3A_15 : memref<1x128x128xf32, #tpu.memory_space<vmem>> -> memref<128x128xf32, #tpu.memory_space<vmem>>
    %dma_start3A_17 = arith.constant 128 : i32
    %dma_start3A_18 = tpu.memref_slice %arg5[%dma_start3A_17] : memref<25600xi32, #tpu.memory_space<vmem>> -> memref<128xi32, #tpu.memory_space<vmem>>
    %dma_start3A_19 = arith.constant 0 : i32
    %dma_start3A_20 = arith.constant 0 : i32
    %dma_start3A_21 = tpu.memref_slice %arg2[%dma_start3A_19, %dma_start3A_20] : memref<100000x128xf32, #tpu.memory_space<hbm>> -> memref<100000x128xf32, #tpu.memory_space<hbm>>
    tpu.enqueue_indirect_dma source(%dma_start3A_21 : memref<100000x128xf32, #tpu.memory_space<hbm>>) target(%dma_start3A_16 : memref<128x128xf32, #tpu.memory_space<vmem>>) offsets(%dma_start3A_18 : memref<128xi32, #tpu.memory_space<vmem>>) semaphore(%arg8 : memref<!tpu.dma_semaphore, #tpu.memory_space<semaphore_mem>>)
    %dma_start3A_22 = arith.constant 2 : i32
    %dma_start3A_23 = arith.constant 0 : i32
    %dma_start3A_24 = arith.constant 0 : i32
    %dma_start3A_25 = tpu.memref_slice %arg6[%dma_start3A_22, %dma_start3A_23, %dma_start3A_24] : memref<5x128x128xf32, #tpu.memory_space<vmem>> -> memref<1x128x128xf32, #tpu.memory_space<vmem>>
    %dma_start3A_26 = tpu.memref_squeeze %dma_start3A_25 : memref<1x128x128xf32, #tpu.memory_space<vmem>> -> memref<128x128xf32, #tpu.memory_space<vmem>>
    %dma_start3A_27 = arith.constant 256 : i32
    %dma_start3A_28 = tpu.memref_slice %arg5[%dma_start3A_27] : memref<25600xi32, #tpu.memory_space<vmem>> -> memref<128xi32, #tpu.memory_space<vmem>>
    %dma_start3A_29 = arith.constant 0 : i32
    %dma_start3A_30 = arith.constant 0 : i32
    %dma_start3A_31 = tpu.memref_slice %arg2[%dma_start3A_29, %dma_start3A_30] : memref<100000x128xf32, #tpu.memory_space<hbm>> -> memref<100000x128xf32, #tpu.memory_space<hbm>>
    tpu.enqueue_indirect_dma source(%dma_start3A_31 : memref<100000x128xf32, #tpu.memory_space<hbm>>) target(%dma_start3A_26 : memref<128x128xf32, #tpu.memory_space<vmem>>) offsets(%dma_start3A_28 : memref<128xi32, #tpu.memory_space<vmem>>) semaphore(%arg9 : memref<!tpu.dma_semaphore, #tpu.memory_space<semaphore_mem>>)
    %dma_start3A_32 = arith.constant 3 : i32
    %dma_start3A_33 = arith.constant 0 : i32
    %dma_start3A_34 = arith.constant 0 : i32
    %dma_start3A_35 = tpu.memref_slice %arg6[%dma_start3A_32, %dma_start3A_33, %dma_start3A_34] : memref<5x128x128xf32, #tpu.memory_space<vmem>> -> memref<1x128x128xf32, #tpu.memory_space<vmem>>
    %dma_start3A_36 = tpu.memref_squeeze %dma_start3A_35 : memref<1x128x128xf32, #tpu.memory_space<vmem>> -> memref<128x128xf32, #tpu.memory_space<vmem>>
    %dma_start3A_37 = arith.constant 384 : i32
    %dma_start3A_38 = tpu.memref_slice %arg5[%dma_start3A_37] : memref<25600xi32, #tpu.memory_space<vmem>> -> memref<128xi32, #tpu.memory_space<vmem>>
    %dma_start3A_39 = arith.constant 0 : i32
    %dma_start3A_40 = arith.constant 0 : i32
    %dma_start3A_41 = tpu.memref_slice %arg2[%dma_start3A_39, %dma_start3A_40] : memref<100000x128xf32, #tpu.memory_space<hbm>> -> memref<100000x128xf32, #tpu.memory_space<hbm>>
    tpu.enqueue_indirect_dma source(%dma_start3A_41 : memref<100000x128xf32, #tpu.memory_space<hbm>>) target(%dma_start3A_36 : memref<128x128xf32, #tpu.memory_space<vmem>>) offsets(%dma_start3A_38 : memref<128xi32, #tpu.memory_space<vmem>>) semaphore(%arg10 : memref<!tpu.dma_semaphore, #tpu.memory_space<semaphore_mem>>)
    %scan3A = arith.constant 0 : i32
    %scan3A_42 = arith.constant 0 : i32
    %scan3A_43 = arith.constant 40 : i32
    %scan3A_44 = arith.addi %scan3A_42, %scan3A_43 : i32
    %scan3A_45 = arith.constant 1 : i32
    scf.for %scan3A_121 = %scan3A_42 to %scan3A_44 step %scan3A_45  : i32 {
      %mul3A_122 = arith.constant 5 : i32
      %mul3A_123 = arith.muli %scan3A_121, %mul3A_122 : i32
      %add3A_124 = arith.constant 0 : i32
      %add3A_125 = arith.addi %mul3A_123, %add3A_124 : i32
      %add3A_126 = arith.constant 5 : i32
      %add3A_127 = arith.addi %add3A_125, %add3A_126 : i32
      %sub3A = arith.constant 1 : i32
      %sub3A_128 = arith.subi %add3A_127, %sub3A : i32
      %lt3A = arith.constant 200 : i32
      %lt3A_129 = arith.cmpi slt, %sub3A_128, %lt3A : i32
      %convert_element_type3A = arith.extui %lt3A_129 : i1 to i32
      %cond3A = arith.constant 0 : i32
      %cond3A_130 = arith.cmpi ne, %convert_element_type3A, %cond3A : i32
      scf.if %cond3A_130 {
        %ge3A = arith.constant 5 : i32
        %ge3A_318 = arith.cmpi sge, %sub3A_128, %ge3A : i32
        %convert_element_type3A_319 = arith.extui %ge3A_318 : i1 to i32
        %cond3A_320 = arith.constant 0 : i32
        %cond3A_321 = arith.cmpi ne, %convert_element_type3A_319, %cond3A_320 : i32
        scf.if %cond3A_321 {
          %sub3A_333 = arith.constant 5 : i32
          %sub3A_334 = arith.subi %sub3A_128, %sub3A_333 : i32
          %mul3A_335 = arith.constant 128 : i32
          %mul3A_336 = arith.muli %sub3A_334, %mul3A_335 : i32
          %add3A_337 = arith.addi %mul3A_2, %mul3A_336 : i32
          %dma_wait3A_338 = arith.constant 4 : i32
          %dma_wait3A_339 = arith.constant 0 : i32
          %dma_wait3A_340 = arith.constant 0 : i32
          %dma_wait3A_341 = tpu.memref_slice %arg6[%dma_wait3A_338, %dma_wait3A_339, %dma_wait3A_340] : memref<5x128x128xf32, #tpu.memory_space<vmem>> -> memref<1x128x128xf32, #tpu.memory_space<vmem>>
          %dma_wait3A_342 = tpu.memref_squeeze %dma_wait3A_341 : memref<1x128x128xf32, #tpu.memory_space<vmem>> -> memref<128x128xf32, #tpu.memory_space<vmem>>
          %dma_wait3A_343 = arith.constant 0 : i32
          %dma_wait3A_344 = tpu.memref_slice %arg4[%add3A_337, %dma_wait3A_343] : memref<819200x128xf32, #tpu.memory_space<hbm>> -> memref<128x128xf32, #tpu.memory_space<hbm>>
          %dma_wait3A_345 = arith.constant 0 : i32
          %dma_wait3A_346 = tpu.memref_slice %arg4[%add3A_337, %dma_wait3A_345] : memref<819200x128xf32, #tpu.memory_space<hbm>> -> memref<128x128xf32, #tpu.memory_space<hbm>>
          %dma_wait3A_347 = arith.constant 0 : i32
          %dma_wait3A_348 = arith.constant 0 : i32
          %dma_wait3A_349 = tpu.memref_slice %arg6[%dma_wait3A_338, %dma_wait3A_347, %dma_wait3A_348] : memref<5x128x128xf32, #tpu.memory_space<vmem>> -> memref<1x128x128xf32, #tpu.memory_space<vmem>>
          %dma_wait3A_350 = tpu.memref_squeeze %dma_wait3A_349 : memref<1x128x128xf32, #tpu.memory_space<vmem>> -> memref<128x128xf32, #tpu.memory_space<vmem>>
          tpu.wait_dma2 semaphore(%arg16 : memref<!tpu.dma_semaphore, #tpu.memory_space<semaphore_mem>>) src(%dma_wait3A_350 : memref<128x128xf32, #tpu.memory_space<vmem>>) dst(%dma_wait3A_346 : memref<128x128xf32, #tpu.memory_space<hbm>>)
        } else {
        }
        %mul3A_322 = arith.constant 128 : i32
        %mul3A_323 = arith.muli %sub3A_128, %mul3A_322 : i32
        %dma_start3A_324 = arith.constant 4 : i32
        %dma_start3A_325 = arith.constant 0 : i32
        %dma_start3A_326 = arith.constant 0 : i32
        %dma_start3A_327 = tpu.memref_slice %arg6[%dma_start3A_324, %dma_start3A_325, %dma_start3A_326] : memref<5x128x128xf32, #tpu.memory_space<vmem>> -> memref<1x128x128xf32, #tpu.memory_space<vmem>>
        %dma_start3A_328 = tpu.memref_squeeze %dma_start3A_327 : memref<1x128x128xf32, #tpu.memory_space<vmem>> -> memref<128x128xf32, #tpu.memory_space<vmem>>
        %dma_start3A_329 = tpu.memref_slice %arg5[%mul3A_323] : memref<25600xi32, #tpu.memory_space<vmem>> -> memref<128xi32, #tpu.memory_space<vmem>>
        %dma_start3A_330 = arith.constant 0 : i32
        %dma_start3A_331 = arith.constant 0 : i32
        %dma_start3A_332 = tpu.memref_slice %arg2[%dma_start3A_330, %dma_start3A_331] : memref<100000x128xf32, #tpu.memory_space<hbm>> -> memref<100000x128xf32, #tpu.memory_space<hbm>>
        tpu.enqueue_indirect_dma source(%dma_start3A_332 : memref<100000x128xf32, #tpu.memory_space<hbm>>) target(%dma_start3A_328 : memref<128x128xf32, #tpu.memory_space<vmem>>) offsets(%dma_start3A_329 : memref<128xi32, #tpu.memory_space<vmem>>) semaphore(%arg11 : memref<!tpu.dma_semaphore, #tpu.memory_space<semaphore_mem>>)
      } else {
      }
      %mul3A_131 = arith.constant 128 : i32
      %mul3A_132 = arith.muli %add3A_125, %mul3A_131 : i32
      %dma_wait3A_133 = arith.constant 0 : i32
      %dma_wait3A_134 = arith.constant 0 : i32
      %dma_wait3A_135 = arith.constant 0 : i32
      %dma_wait3A_136 = tpu.memref_slice %arg6[%dma_wait3A_133, %dma_wait3A_134, %dma_wait3A_135] : memref<5x128x128xf32, #tpu.memory_space<vmem>> -> memref<1x128x128xf32, #tpu.memory_space<vmem>>
      %dma_wait3A_137 = tpu.memref_squeeze %dma_wait3A_136 : memref<1x128x128xf32, #tpu.memory_space<vmem>> -> memref<128x128xf32, #tpu.memory_space<vmem>>
      %dma_wait3A_138 = tpu.memref_slice %arg5[%mul3A_132] : memref<25600xi32, #tpu.memory_space<vmem>> -> memref<128xi32, #tpu.memory_space<vmem>>
      %dma_wait3A_139 = arith.constant 0 : i32
      %dma_wait3A_140 = arith.constant 0 : i32
      %dma_wait3A_141 = tpu.memref_slice %arg2[%dma_wait3A_139, %dma_wait3A_140] : memref<100000x128xf32, #tpu.memory_space<hbm>> -> memref<100000x128xf32, #tpu.memory_space<hbm>>
      tpu.wait_indirect_dma semaphore(%arg7 : memref<!tpu.dma_semaphore, #tpu.memory_space<semaphore_mem>>) src(%dma_wait3A_141 : memref<100000x128xf32, #tpu.memory_space<hbm>>) dst(%dma_wait3A_137 : memref<128x128xf32, #tpu.memory_space<vmem>>)
      %mul3A_142 = arith.constant 128 : i32
      %mul3A_143 = arith.muli %add3A_125, %mul3A_142 : i32
      %add3A_144 = arith.addi %mul3A_2, %mul3A_143 : i32
      %dma_start3A_145 = arith.constant 0 : i32
      %dma_start3A_146 = arith.constant 0 : i32
      %dma_start3A_147 = arith.constant 0 : i32
      %dma_start3A_148 = tpu.memref_slice %arg6[%dma_start3A_145, %dma_start3A_146, %dma_start3A_147] : memref<5x128x128xf32, #tpu.memory_space<vmem>> -> memref<1x128x128xf32, #tpu.memory_space<vmem>>
      %dma_start3A_149 = tpu.memref_squeeze %dma_start3A_148 : memref<1x128x128xf32, #tpu.memory_space<vmem>> -> memref<128x128xf32, #tpu.memory_space<vmem>>
      %dma_start3A_150 = arith.constant 0 : i32
      %dma_start3A_151 = tpu.memref_slice %arg4[%add3A_144, %dma_start3A_150] : memref<819200x128xf32, #tpu.memory_space<hbm>> -> memref<128x128xf32, #tpu.memory_space<hbm>>
      %dma_start3A_152 = arith.constant 0 : i32
      %dma_start3A_153 = tpu.memref_slice %arg4[%add3A_144, %dma_start3A_152] : memref<819200x128xf32, #tpu.memory_space<hbm>> -> memref<128x128xf32, #tpu.memory_space<hbm>>
      %dma_start3A_154 = arith.constant 0 : i32
      %dma_start3A_155 = arith.constant 0 : i32
      %dma_start3A_156 = tpu.memref_slice %arg6[%dma_start3A_145, %dma_start3A_154, %dma_start3A_155] : memref<5x128x128xf32, #tpu.memory_space<vmem>> -> memref<1x128x128xf32, #tpu.memory_space<vmem>>
      %dma_start3A_157 = tpu.memref_squeeze %dma_start3A_156 : memref<1x128x128xf32, #tpu.memory_space<vmem>> -> memref<128x128xf32, #tpu.memory_space<vmem>>
      tpu.enqueue_dma source(%dma_start3A_157 : memref<128x128xf32, #tpu.memory_space<vmem>>) target(%dma_start3A_153 : memref<128x128xf32, #tpu.memory_space<hbm>>) target_semaphore(%arg12 : memref<!tpu.dma_semaphore, #tpu.memory_space<semaphore_mem>>)
      %mul3A_158 = arith.constant 5 : i32
      %mul3A_159 = arith.muli %scan3A_121, %mul3A_158 : i32
      %add3A_160 = arith.constant 1 : i32
      %add3A_161 = arith.addi %mul3A_159, %add3A_160 : i32
      %add3A_162 = arith.constant 5 : i32
      %add3A_163 = arith.addi %add3A_161, %add3A_162 : i32
      %sub3A_164 = arith.constant 1 : i32
      %sub3A_165 = arith.subi %add3A_163, %sub3A_164 : i32
      %lt3A_166 = arith.constant 200 : i32
      %lt3A_167 = arith.cmpi slt, %sub3A_165, %lt3A_166 : i32
      %convert_element_type3A_168 = arith.extui %lt3A_167 : i1 to i32
      %cond3A_169 = arith.constant 0 : i32
      %cond3A_170 = arith.cmpi ne, %convert_element_type3A_168, %cond3A_169 : i32
      scf.if %cond3A_170 {
        %ge3A = arith.constant 5 : i32
        %ge3A_318 = arith.cmpi sge, %sub3A_165, %ge3A : i32
        %convert_element_type3A_319 = arith.extui %ge3A_318 : i1 to i32
        %cond3A_320 = arith.constant 0 : i32
        %cond3A_321 = arith.cmpi ne, %convert_element_type3A_319, %cond3A_320 : i32
        scf.if %cond3A_321 {
          %sub3A_333 = arith.constant 5 : i32
          %sub3A_334 = arith.subi %sub3A_165, %sub3A_333 : i32
          %mul3A_335 = arith.constant 128 : i32
          %mul3A_336 = arith.muli %sub3A_334, %mul3A_335 : i32
          %add3A_337 = arith.addi %mul3A_2, %mul3A_336 : i32
          %dma_wait3A_338 = arith.constant 0 : i32
          %dma_wait3A_339 = arith.constant 0 : i32
          %dma_wait3A_340 = arith.constant 0 : i32
          %dma_wait3A_341 = tpu.memref_slice %arg6[%dma_wait3A_338, %dma_wait3A_339, %dma_wait3A_340] : memref<5x128x128xf32, #tpu.memory_space<vmem>> -> memref<1x128x128xf32, #tpu.memory_space<vmem>>
          %dma_wait3A_342 = tpu.memref_squeeze %dma_wait3A_341 : memref<1x128x128xf32, #tpu.memory_space<vmem>> -> memref<128x128xf32, #tpu.memory_space<vmem>>
          %dma_wait3A_343 = arith.constant 0 : i32
          %dma_wait3A_344 = tpu.memref_slice %arg4[%add3A_337, %dma_wait3A_343] : memref<819200x128xf32, #tpu.memory_space<hbm>> -> memref<128x128xf32, #tpu.memory_space<hbm>>
          %dma_wait3A_345 = arith.constant 0 : i32
          %dma_wait3A_346 = tpu.memref_slice %arg4[%add3A_337, %dma_wait3A_345] : memref<819200x128xf32, #tpu.memory_space<hbm>> -> memref<128x128xf32, #tpu.memory_space<hbm>>
          %dma_wait3A_347 = arith.constant 0 : i32
          %dma_wait3A_348 = arith.constant 0 : i32
          %dma_wait3A_349 = tpu.memref_slice %arg6[%dma_wait3A_338, %dma_wait3A_347, %dma_wait3A_348] : memref<5x128x128xf32, #tpu.memory_space<vmem>> -> memref<1x128x128xf32, #tpu.memory_space<vmem>>
          %dma_wait3A_350 = tpu.memref_squeeze %dma_wait3A_349 : memref<1x128x128xf32, #tpu.memory_space<vmem>> -> memref<128x128xf32, #tpu.memory_space<vmem>>
          tpu.wait_dma2 semaphore(%arg12 : memref<!tpu.dma_semaphore, #tpu.memory_space<semaphore_mem>>) src(%dma_wait3A_350 : memref<128x128xf32, #tpu.memory_space<vmem>>) dst(%dma_wait3A_346 : memref<128x128xf32, #tpu.memory_space<hbm>>)
        } else {
        }
        %mul3A_322 = arith.constant 128 : i32
        %mul3A_323 = arith.muli %sub3A_165, %mul3A_322 : i32
        %dma_start3A_324 = arith.constant 0 : i32
        %dma_start3A_325 = arith.constant 0 : i32
        %dma_start3A_326 = arith.constant 0 : i32
        %dma_start3A_327 = tpu.memref_slice %arg6[%dma_start3A_324, %dma_start3A_325, %dma_start3A_326] : memref<5x128x128xf32, #tpu.memory_space<vmem>> -> memref<1x128x128xf32, #tpu.memory_space<vmem>>
        %dma_start3A_328 = tpu.memref_squeeze %dma_start3A_327 : memref<1x128x128xf32, #tpu.memory_space<vmem>> -> memref<128x128xf32, #tpu.memory_space<vmem>>
        %dma_start3A_329 = tpu.memref_slice %arg5[%mul3A_323] : memref<25600xi32, #tpu.memory_space<vmem>> -> memref<128xi32, #tpu.memory_space<vmem>>
        %dma_start3A_330 = arith.constant 0 : i32
        %dma_start3A_331 = arith.constant 0 : i32
        %dma_start3A_332 = tpu.memref_slice %arg2[%dma_start3A_330, %dma_start3A_331] : memref<100000x128xf32, #tpu.memory_space<hbm>> -> memref<100000x128xf32, #tpu.memory_space<hbm>>
        tpu.enqueue_indirect_dma source(%dma_start3A_332 : memref<100000x128xf32, #tpu.memory_space<hbm>>) target(%dma_start3A_328 : memref<128x128xf32, #tpu.memory_space<vmem>>) offsets(%dma_start3A_329 : memref<128xi32, #tpu.memory_space<vmem>>) semaphore(%arg7 : memref<!tpu.dma_semaphore, #tpu.memory_space<semaphore_mem>>)
      } else {
      }
      %mul3A_171 = arith.constant 128 : i32
      %mul3A_172 = arith.muli %add3A_161, %mul3A_171 : i32
      %dma_wait3A_173 = arith.constant 1 : i32
      %dma_wait3A_174 = arith.constant 0 : i32
      %dma_wait3A_175 = arith.constant 0 : i32
      %dma_wait3A_176 = tpu.memref_slice %arg6[%dma_wait3A_173, %dma_wait3A_174, %dma_wait3A_175] : memref<5x128x128xf32, #tpu.memory_space<vmem>> -> memref<1x128x128xf32, #tpu.memory_space<vmem>>
      %dma_wait3A_177 = tpu.memref_squeeze %dma_wait3A_176 : memref<1x128x128xf32, #tpu.memory_space<vmem>> -> memref<128x128xf32, #tpu.memory_space<vmem>>
      %dma_wait3A_178 = tpu.memref_slice %arg5[%mul3A_172] : memref<25600xi32, #tpu.memory_space<vmem>> -> memref<128xi32, #tpu.memory_space<vmem>>
      %dma_wait3A_179 = arith.constant 0 : i32
      %dma_wait3A_180 = arith.constant 0 : i32
      %dma_wait3A_181 = tpu.memref_slice %arg2[%dma_wait3A_179, %dma_wait3A_180] : memref<100000x128xf32, #tpu.memory_space<hbm>> -> memref<100000x128xf32, #tpu.memory_space<hbm>>
      tpu.wait_indirect_dma semaphore(%arg8 : memref<!tpu.dma_semaphore, #tpu.memory_space<semaphore_mem>>) src(%dma_wait3A_181 : memref<100000x128xf32, #tpu.memory_space<hbm>>) dst(%dma_wait3A_177 : memref<128x128xf32, #tpu.memory_space<vmem>>)
      %mul3A_182 = arith.constant 128 : i32
      %mul3A_183 = arith.muli %add3A_161, %mul3A_182 : i32
      %add3A_184 = arith.addi %mul3A_2, %mul3A_183 : i32
      %dma_start3A_185 = arith.constant 1 : i32
      %dma_start3A_186 = arith.constant 0 : i32
      %dma_start3A_187 = arith.constant 0 : i32
      %dma_start3A_188 = tpu.memref_slice %arg6[%dma_start3A_185, %dma_start3A_186, %dma_start3A_187] : memref<5x128x128xf32, #tpu.memory_space<vmem>> -> memref<1x128x128xf32, #tpu.memory_space<vmem>>
      %dma_start3A_189 = tpu.memref_squeeze %dma_start3A_188 : memref<1x128x128xf32, #tpu.memory_space<vmem>> -> memref<128x128xf32, #tpu.memory_space<vmem>>
      %dma_start3A_190 = arith.constant 0 : i32
      %dma_start3A_191 = tpu.memref_slice %arg4[%add3A_184, %dma_start3A_190] : memref<819200x128xf32, #tpu.memory_space<hbm>> -> memref<128x128xf32, #tpu.memory_space<hbm>>
      %dma_start3A_192 = arith.constant 0 : i32
      %dma_start3A_193 = tpu.memref_slice %arg4[%add3A_184, %dma_start3A_192] : memref<819200x128xf32, #tpu.memory_space<hbm>> -> memref<128x128xf32, #tpu.memory_space<hbm>>
      %dma_start3A_194 = arith.constant 0 : i32
      %dma_start3A_195 = arith.constant 0 : i32
      %dma_start3A_196 = tpu.memref_slice %arg6[%dma_start3A_185, %dma_start3A_194, %dma_start3A_195] : memref<5x128x128xf32, #tpu.memory_space<vmem>> -> memref<1x128x128xf32, #tpu.memory_space<vmem>>
      %dma_start3A_197 = tpu.memref_squeeze %dma_start3A_196 : memref<1x128x128xf32, #tpu.memory_space<vmem>> -> memref<128x128xf32, #tpu.memory_space<vmem>>
      tpu.enqueue_dma source(%dma_start3A_197 : memref<128x128xf32, #tpu.memory_space<vmem>>) target(%dma_start3A_193 : memref<128x128xf32, #tpu.memory_space<hbm>>) target_semaphore(%arg13 : memref<!tpu.dma_semaphore, #tpu.memory_space<semaphore_mem>>)
      %mul3A_198 = arith.constant 5 : i32
      %mul3A_199 = arith.muli %scan3A_121, %mul3A_198 : i32
      %add3A_200 = arith.constant 2 : i32
      %add3A_201 = arith.addi %mul3A_199, %add3A_200 : i32
      %add3A_202 = arith.constant 5 : i32
      %add3A_203 = arith.addi %add3A_201, %add3A_202 : i32
      %sub3A_204 = arith.constant 1 : i32
      %sub3A_205 = arith.subi %add3A_203, %sub3A_204 : i32
      %lt3A_206 = arith.constant 200 : i32
      %lt3A_207 = arith.cmpi slt, %sub3A_205, %lt3A_206 : i32
      %convert_element_type3A_208 = arith.extui %lt3A_207 : i1 to i32
      %cond3A_209 = arith.constant 0 : i32
      %cond3A_210 = arith.cmpi ne, %convert_element_type3A_208, %cond3A_209 : i32
      scf.if %cond3A_210 {
        %ge3A = arith.constant 5 : i32
        %ge3A_318 = arith.cmpi sge, %sub3A_205, %ge3A : i32
        %convert_element_type3A_319 = arith.extui %ge3A_318 : i1 to i32
        %cond3A_320 = arith.constant 0 : i32
        %cond3A_321 = arith.cmpi ne, %convert_element_type3A_319, %cond3A_320 : i32
        scf.if %cond3A_321 {
          %sub3A_333 = arith.constant 5 : i32
          %sub3A_334 = arith.subi %sub3A_205, %sub3A_333 : i32
          %mul3A_335 = arith.constant 128 : i32
          %mul3A_336 = arith.muli %sub3A_334, %mul3A_335 : i32
          %add3A_337 = arith.addi %mul3A_2, %mul3A_336 : i32
          %dma_wait3A_338 = arith.constant 1 : i32
          %dma_wait3A_339 = arith.constant 0 : i32
          %dma_wait3A_340 = arith.constant 0 : i32
          %dma_wait3A_341 = tpu.memref_slice %arg6[%dma_wait3A_338, %dma_wait3A_339, %dma_wait3A_340] : memref<5x128x128xf32, #tpu.memory_space<vmem>> -> memref<1x128x128xf32, #tpu.memory_space<vmem>>
          %dma_wait3A_342 = tpu.memref_squeeze %dma_wait3A_341 : memref<1x128x128xf32, #tpu.memory_space<vmem>> -> memref<128x128xf32, #tpu.memory_space<vmem>>
          %dma_wait3A_343 = arith.constant 0 : i32
          %dma_wait3A_344 = tpu.memref_slice %arg4[%add3A_337, %dma_wait3A_343] : memref<819200x128xf32, #tpu.memory_space<hbm>> -> memref<128x128xf32, #tpu.memory_space<hbm>>
          %dma_wait3A_345 = arith.constant 0 : i32
          %dma_wait3A_346 = tpu.memref_slice %arg4[%add3A_337, %dma_wait3A_345] : memref<819200x128xf32, #tpu.memory_space<hbm>> -> memref<128x128xf32, #tpu.memory_space<hbm>>
          %dma_wait3A_347 = arith.constant 0 : i32
          %dma_wait3A_348 = arith.constant 0 : i32
          %dma_wait3A_349 = tpu.memref_slice %arg6[%dma_wait3A_338, %dma_wait3A_347, %dma_wait3A_348] : memref<5x128x128xf32, #tpu.memory_space<vmem>> -> memref<1x128x128xf32, #tpu.memory_space<vmem>>
          %dma_wait3A_350 = tpu.memref_squeeze %dma_wait3A_349 : memref<1x128x128xf32, #tpu.memory_space<vmem>> -> memref<128x128xf32, #tpu.memory_space<vmem>>
          tpu.wait_dma2 semaphore(%arg13 : memref<!tpu.dma_semaphore, #tpu.memory_space<semaphore_mem>>) src(%dma_wait3A_350 : memref<128x128xf32, #tpu.memory_space<vmem>>) dst(%dma_wait3A_346 : memref<128x128xf32, #tpu.memory_space<hbm>>)
        } else {
        }
        %mul3A_322 = arith.constant 128 : i32
        %mul3A_323 = arith.muli %sub3A_205, %mul3A_322 : i32
        %dma_start3A_324 = arith.constant 1 : i32
        %dma_start3A_325 = arith.constant 0 : i32
        %dma_start3A_326 = arith.constant 0 : i32
        %dma_start3A_327 = tpu.memref_slice %arg6[%dma_start3A_324, %dma_start3A_325, %dma_start3A_326] : memref<5x128x128xf32, #tpu.memory_space<vmem>> -> memref<1x128x128xf32, #tpu.memory_space<vmem>>
        %dma_start3A_328 = tpu.memref_squeeze %dma_start3A_327 : memref<1x128x128xf32, #tpu.memory_space<vmem>> -> memref<128x128xf32, #tpu.memory_space<vmem>>
        %dma_start3A_329 = tpu.memref_slice %arg5[%mul3A_323] : memref<25600xi32, #tpu.memory_space<vmem>> -> memref<128xi32, #tpu.memory_space<vmem>>
        %dma_start3A_330 = arith.constant 0 : i32
        %dma_start3A_331 = arith.constant 0 : i32
        %dma_start3A_332 = tpu.memref_slice %arg2[%dma_start3A_330, %dma_start3A_331] : memref<100000x128xf32, #tpu.memory_space<hbm>> -> memref<100000x128xf32, #tpu.memory_space<hbm>>
        tpu.enqueue_indirect_dma source(%dma_start3A_332 : memref<100000x128xf32, #tpu.memory_space<hbm>>) target(%dma_start3A_328 : memref<128x128xf32, #tpu.memory_space<vmem>>) offsets(%dma_start3A_329 : memref<128xi32, #tpu.memory_space<vmem>>) semaphore(%arg8 : memref<!tpu.dma_semaphore, #tpu.memory_space<semaphore_mem>>)
      } else {
      }
      %mul3A_211 = arith.constant 128 : i32
      %mul3A_212 = arith.muli %add3A_201, %mul3A_211 : i32
      %dma_wait3A_213 = arith.constant 2 : i32
      %dma_wait3A_214 = arith.constant 0 : i32
      %dma_wait3A_215 = arith.constant 0 : i32
      %dma_wait3A_216 = tpu.memref_slice %arg6[%dma_wait3A_213, %dma_wait3A_214, %dma_wait3A_215] : memref<5x128x128xf32, #tpu.memory_space<vmem>> -> memref<1x128x128xf32, #tpu.memory_space<vmem>>
      %dma_wait3A_217 = tpu.memref_squeeze %dma_wait3A_216 : memref<1x128x128xf32, #tpu.memory_space<vmem>> -> memref<128x128xf32, #tpu.memory_space<vmem>>
      %dma_wait3A_218 = tpu.memref_slice %arg5[%mul3A_212] : memref<25600xi32, #tpu.memory_space<vmem>> -> memref<128xi32, #tpu.memory_space<vmem>>
      %dma_wait3A_219 = arith.constant 0 : i32
      %dma_wait3A_220 = arith.constant 0 : i32
      %dma_wait3A_221 = tpu.memref_slice %arg2[%dma_wait3A_219, %dma_wait3A_220] : memref<100000x128xf32, #tpu.memory_space<hbm>> -> memref<100000x128xf32, #tpu.memory_space<hbm>>
      tpu.wait_indirect_dma semaphore(%arg9 : memref<!tpu.dma_semaphore, #tpu.memory_space<semaphore_mem>>) src(%dma_wait3A_221 : memref<100000x128xf32, #tpu.memory_space<hbm>>) dst(%dma_wait3A_217 : memref<128x128xf32, #tpu.memory_space<vmem>>)
      %mul3A_222 = arith.constant 128 : i32
      %mul3A_223 = arith.muli %add3A_201, %mul3A_222 : i32
      %add3A_224 = arith.addi %mul3A_2, %mul3A_223 : i32
      %dma_start3A_225 = arith.constant 2 : i32
      %dma_start3A_226 = arith.constant 0 : i32
      %dma_start3A_227 = arith.constant 0 : i32
      %dma_start3A_228 = tpu.memref_slice %arg6[%dma_start3A_225, %dma_start3A_226, %dma_start3A_227] : memref<5x128x128xf32, #tpu.memory_space<vmem>> -> memref<1x128x128xf32, #tpu.memory_space<vmem>>
      %dma_start3A_229 = tpu.memref_squeeze %dma_start3A_228 : memref<1x128x128xf32, #tpu.memory_space<vmem>> -> memref<128x128xf32, #tpu.memory_space<vmem>>
      %dma_start3A_230 = arith.constant 0 : i32
      %dma_start3A_231 = tpu.memref_slice %arg4[%add3A_224, %dma_start3A_230] : memref<819200x128xf32, #tpu.memory_space<hbm>> -> memref<128x128xf32, #tpu.memory_space<hbm>>
      %dma_start3A_232 = arith.constant 0 : i32
      %dma_start3A_233 = tpu.memref_slice %arg4[%add3A_224, %dma_start3A_232] : memref<819200x128xf32, #tpu.memory_space<hbm>> -> memref<128x128xf32, #tpu.memory_space<hbm>>
      %dma_start3A_234 = arith.constant 0 : i32
      %dma_start3A_235 = arith.constant 0 : i32
      %dma_start3A_236 = tpu.memref_slice %arg6[%dma_start3A_225, %dma_start3A_234, %dma_start3A_235] : memref<5x128x128xf32, #tpu.memory_space<vmem>> -> memref<1x128x128xf32, #tpu.memory_space<vmem>>
      %dma_start3A_237 = tpu.memref_squeeze %dma_start3A_236 : memref<1x128x128xf32, #tpu.memory_space<vmem>> -> memref<128x128xf32, #tpu.memory_space<vmem>>
      tpu.enqueue_dma source(%dma_start3A_237 : memref<128x128xf32, #tpu.memory_space<vmem>>) target(%dma_start3A_233 : memref<128x128xf32, #tpu.memory_space<hbm>>) target_semaphore(%arg14 : memref<!tpu.dma_semaphore, #tpu.memory_space<semaphore_mem>>)
      %mul3A_238 = arith.constant 5 : i32
      %mul3A_239 = arith.muli %scan3A_121, %mul3A_238 : i32
      %add3A_240 = arith.constant 3 : i32
      %add3A_241 = arith.addi %mul3A_239, %add3A_240 : i32
      %add3A_242 = arith.constant 5 : i32
      %add3A_243 = arith.addi %add3A_241, %add3A_242 : i32
      %sub3A_244 = arith.constant 1 : i32
      %sub3A_245 = arith.subi %add3A_243, %sub3A_244 : i32
      %lt3A_246 = arith.constant 200 : i32
      %lt3A_247 = arith.cmpi slt, %sub3A_245, %lt3A_246 : i32
      %convert_element_type3A_248 = arith.extui %lt3A_247 : i1 to i32
      %cond3A_249 = arith.constant 0 : i32
      %cond3A_250 = arith.cmpi ne, %convert_element_type3A_248, %cond3A_249 : i32
      scf.if %cond3A_250 {
        %ge3A = arith.constant 5 : i32
        %ge3A_318 = arith.cmpi sge, %sub3A_245, %ge3A : i32
        %convert_element_type3A_319 = arith.extui %ge3A_318 : i1 to i32
        %cond3A_320 = arith.constant 0 : i32
        %cond3A_321 = arith.cmpi ne, %convert_element_type3A_319, %cond3A_320 : i32
        scf.if %cond3A_321 {
          %sub3A_333 = arith.constant 5 : i32
          %sub3A_334 = arith.subi %sub3A_245, %sub3A_333 : i32
          %mul3A_335 = arith.constant 128 : i32
          %mul3A_336 = arith.muli %sub3A_334, %mul3A_335 : i32
          %add3A_337 = arith.addi %mul3A_2, %mul3A_336 : i32
          %dma_wait3A_338 = arith.constant 2 : i32
          %dma_wait3A_339 = arith.constant 0 : i32
          %dma_wait3A_340 = arith.constant 0 : i32
          %dma_wait3A_341 = tpu.memref_slice %arg6[%dma_wait3A_338, %dma_wait3A_339, %dma_wait3A_340] : memref<5x128x128xf32, #tpu.memory_space<vmem>> -> memref<1x128x128xf32, #tpu.memory_space<vmem>>
          %dma_wait3A_342 = tpu.memref_squeeze %dma_wait3A_341 : memref<1x128x128xf32, #tpu.memory_space<vmem>> -> memref<128x128xf32, #tpu.memory_space<vmem>>
          %dma_wait3A_343 = arith.constant 0 : i32
          %dma_wait3A_344 = tpu.memref_slice %arg4[%add3A_337, %dma_wait3A_343] : memref<819200x128xf32, #tpu.memory_space<hbm>> -> memref<128x128xf32, #tpu.memory_space<hbm>>
          %dma_wait3A_345 = arith.constant 0 : i32
          %dma_wait3A_346 = tpu.memref_slice %arg4[%add3A_337, %dma_wait3A_345] : memref<819200x128xf32, #tpu.memory_space<hbm>> -> memref<128x128xf32, #tpu.memory_space<hbm>>
          %dma_wait3A_347 = arith.constant 0 : i32
          %dma_wait3A_348 = arith.constant 0 : i32
          %dma_wait3A_349 = tpu.memref_slice %arg6[%dma_wait3A_338, %dma_wait3A_347, %dma_wait3A_348] : memref<5x128x128xf32, #tpu.memory_space<vmem>> -> memref<1x128x128xf32, #tpu.memory_space<vmem>>
          %dma_wait3A_350 = tpu.memref_squeeze %dma_wait3A_349 : memref<1x128x128xf32, #tpu.memory_space<vmem>> -> memref<128x128xf32, #tpu.memory_space<vmem>>
          tpu.wait_dma2 semaphore(%arg14 : memref<!tpu.dma_semaphore, #tpu.memory_space<semaphore_mem>>) src(%dma_wait3A_350 : memref<128x128xf32, #tpu.memory_space<vmem>>) dst(%dma_wait3A_346 : memref<128x128xf32, #tpu.memory_space<hbm>>)
        } else {
        }
        %mul3A_322 = arith.constant 128 : i32
        %mul3A_323 = arith.muli %sub3A_245, %mul3A_322 : i32
        %dma_start3A_324 = arith.constant 2 : i32
        %dma_start3A_325 = arith.constant 0 : i32
        %dma_start3A_326 = arith.constant 0 : i32
        %dma_start3A_327 = tpu.memref_slice %arg6[%dma_start3A_324, %dma_start3A_325, %dma_start3A_326] : memref<5x128x128xf32, #tpu.memory_space<vmem>> -> memref<1x128x128xf32, #tpu.memory_space<vmem>>
        %dma_start3A_328 = tpu.memref_squeeze %dma_start3A_327 : memref<1x128x128xf32, #tpu.memory_space<vmem>> -> memref<128x128xf32, #tpu.memory_space<vmem>>
        %dma_start3A_329 = tpu.memref_slice %arg5[%mul3A_323] : memref<25600xi32, #tpu.memory_space<vmem>> -> memref<128xi32, #tpu.memory_space<vmem>>
        %dma_start3A_330 = arith.constant 0 : i32
        %dma_start3A_331 = arith.constant 0 : i32
        %dma_start3A_332 = tpu.memref_slice %arg2[%dma_start3A_330, %dma_start3A_331] : memref<100000x128xf32, #tpu.memory_space<hbm>> -> memref<100000x128xf32, #tpu.memory_space<hbm>>
        tpu.enqueue_indirect_dma source(%dma_start3A_332 : memref<100000x128xf32, #tpu.memory_space<hbm>>) target(%dma_start3A_328 : memref<128x128xf32, #tpu.memory_space<vmem>>) offsets(%dma_start3A_329 : memref<128xi32, #tpu.memory_space<vmem>>) semaphore(%arg9 : memref<!tpu.dma_semaphore, #tpu.memory_space<semaphore_mem>>)
      } else {
      }
      %mul3A_251 = arith.constant 128 : i32
      %mul3A_252 = arith.muli %add3A_241, %mul3A_251 : i32
      %dma_wait3A_253 = arith.constant 3 : i32
      %dma_wait3A_254 = arith.constant 0 : i32
      %dma_wait3A_255 = arith.constant 0 : i32
      %dma_wait3A_256 = tpu.memref_slice %arg6[%dma_wait3A_253, %dma_wait3A_254, %dma_wait3A_255] : memref<5x128x128xf32, #tpu.memory_space<vmem>> -> memref<1x128x128xf32, #tpu.memory_space<vmem>>
      %dma_wait3A_257 = tpu.memref_squeeze %dma_wait3A_256 : memref<1x128x128xf32, #tpu.memory_space<vmem>> -> memref<128x128xf32, #tpu.memory_space<vmem>>
      %dma_wait3A_258 = tpu.memref_slice %arg5[%mul3A_252] : memref<25600xi32, #tpu.memory_space<vmem>> -> memref<128xi32, #tpu.memory_space<vmem>>
      %dma_wait3A_259 = arith.constant 0 : i32
      %dma_wait3A_260 = arith.constant 0 : i32
      %dma_wait3A_261 = tpu.memref_slice %arg2[%dma_wait3A_259, %dma_wait3A_260] : memref<100000x128xf32, #tpu.memory_space<hbm>> -> memref<100000x128xf32, #tpu.memory_space<hbm>>
      tpu.wait_indirect_dma semaphore(%arg10 : memref<!tpu.dma_semaphore, #tpu.memory_space<semaphore_mem>>) src(%dma_wait3A_261 : memref<100000x128xf32, #tpu.memory_space<hbm>>) dst(%dma_wait3A_257 : memref<128x128xf32, #tpu.memory_space<vmem>>)
      %mul3A_262 = arith.constant 128 : i32
      %mul3A_263 = arith.muli %add3A_241, %mul3A_262 : i32
      %add3A_264 = arith.addi %mul3A_2, %mul3A_263 : i32
      %dma_start3A_265 = arith.constant 3 : i32
      %dma_start3A_266 = arith.constant 0 : i32
      %dma_start3A_267 = arith.constant 0 : i32
      %dma_start3A_268 = tpu.memref_slice %arg6[%dma_start3A_265, %dma_start3A_266, %dma_start3A_267] : memref<5x128x128xf32, #tpu.memory_space<vmem>> -> memref<1x128x128xf32, #tpu.memory_space<vmem>>
      %dma_start3A_269 = tpu.memref_squeeze %dma_start3A_268 : memref<1x128x128xf32, #tpu.memory_space<vmem>> -> memref<128x128xf32, #tpu.memory_space<vmem>>
      %dma_start3A_270 = arith.constant 0 : i32
      %dma_start3A_271 = tpu.memref_slice %arg4[%add3A_264, %dma_start3A_270] : memref<819200x128xf32, #tpu.memory_space<hbm>> -> memref<128x128xf32, #tpu.memory_space<hbm>>
      %dma_start3A_272 = arith.constant 0 : i32
      %dma_start3A_273 = tpu.memref_slice %arg4[%add3A_264, %dma_start3A_272] : memref<819200x128xf32, #tpu.memory_space<hbm>> -> memref<128x128xf32, #tpu.memory_space<hbm>>
      %dma_start3A_274 = arith.constant 0 : i32
      %dma_start3A_275 = arith.constant 0 : i32
      %dma_start3A_276 = tpu.memref_slice %arg6[%dma_start3A_265, %dma_start3A_274, %dma_start3A_275] : memref<5x128x128xf32, #tpu.memory_space<vmem>> -> memref<1x128x128xf32, #tpu.memory_space<vmem>>
      %dma_start3A_277 = tpu.memref_squeeze %dma_start3A_276 : memref<1x128x128xf32, #tpu.memory_space<vmem>> -> memref<128x128xf32, #tpu.memory_space<vmem>>
      tpu.enqueue_dma source(%dma_start3A_277 : memref<128x128xf32, #tpu.memory_space<vmem>>) target(%dma_start3A_273 : memref<128x128xf32, #tpu.memory_space<hbm>>) target_semaphore(%arg15 : memref<!tpu.dma_semaphore, #tpu.memory_space<semaphore_mem>>)
      %mul3A_278 = arith.constant 5 : i32
      %mul3A_279 = arith.muli %scan3A_121, %mul3A_278 : i32
      %add3A_280 = arith.constant 4 : i32
      %add3A_281 = arith.addi %mul3A_279, %add3A_280 : i32
      %add3A_282 = arith.constant 5 : i32
      %add3A_283 = arith.addi %add3A_281, %add3A_282 : i32
      %sub3A_284 = arith.constant 1 : i32
      %sub3A_285 = arith.subi %add3A_283, %sub3A_284 : i32
      %lt3A_286 = arith.constant 200 : i32
      %lt3A_287 = arith.cmpi slt, %sub3A_285, %lt3A_286 : i32
      %convert_element_type3A_288 = arith.extui %lt3A_287 : i1 to i32
      %cond3A_289 = arith.constant 0 : i32
      %cond3A_290 = arith.cmpi ne, %convert_element_type3A_288, %cond3A_289 : i32
      scf.if %cond3A_290 {
        %ge3A = arith.constant 5 : i32
        %ge3A_318 = arith.cmpi sge, %sub3A_285, %ge3A : i32
        %convert_element_type3A_319 = arith.extui %ge3A_318 : i1 to i32
        %cond3A_320 = arith.constant 0 : i32
        %cond3A_321 = arith.cmpi ne, %convert_element_type3A_319, %cond3A_320 : i32
        scf.if %cond3A_321 {
          %sub3A_333 = arith.constant 5 : i32
          %sub3A_334 = arith.subi %sub3A_285, %sub3A_333 : i32
          %mul3A_335 = arith.constant 128 : i32
          %mul3A_336 = arith.muli %sub3A_334, %mul3A_335 : i32
          %add3A_337 = arith.addi %mul3A_2, %mul3A_336 : i32
          %dma_wait3A_338 = arith.constant 3 : i32
          %dma_wait3A_339 = arith.constant 0 : i32
          %dma_wait3A_340 = arith.constant 0 : i32
          %dma_wait3A_341 = tpu.memref_slice %arg6[%dma_wait3A_338, %dma_wait3A_339, %dma_wait3A_340] : memref<5x128x128xf32, #tpu.memory_space<vmem>> -> memref<1x128x128xf32, #tpu.memory_space<vmem>>
          %dma_wait3A_342 = tpu.memref_squeeze %dma_wait3A_341 : memref<1x128x128xf32, #tpu.memory_space<vmem>> -> memref<128x128xf32, #tpu.memory_space<vmem>>
          %dma_wait3A_343 = arith.constant 0 : i32
          %dma_wait3A_344 = tpu.memref_slice %arg4[%add3A_337, %dma_wait3A_343] : memref<819200x128xf32, #tpu.memory_space<hbm>> -> memref<128x128xf32, #tpu.memory_space<hbm>>
          %dma_wait3A_345 = arith.constant 0 : i32
          %dma_wait3A_346 = tpu.memref_slice %arg4[%add3A_337, %dma_wait3A_345] : memref<819200x128xf32, #tpu.memory_space<hbm>> -> memref<128x128xf32, #tpu.memory_space<hbm>>
          %dma_wait3A_347 = arith.constant 0 : i32
          %dma_wait3A_348 = arith.constant 0 : i32
          %dma_wait3A_349 = tpu.memref_slice %arg6[%dma_wait3A_338, %dma_wait3A_347, %dma_wait3A_348] : memref<5x128x128xf32, #tpu.memory_space<vmem>> -> memref<1x128x128xf32, #tpu.memory_space<vmem>>
          %dma_wait3A_350 = tpu.memref_squeeze %dma_wait3A_349 : memref<1x128x128xf32, #tpu.memory_space<vmem>> -> memref<128x128xf32, #tpu.memory_space<vmem>>
          tpu.wait_dma2 semaphore(%arg15 : memref<!tpu.dma_semaphore, #tpu.memory_space<semaphore_mem>>) src(%dma_wait3A_350 : memref<128x128xf32, #tpu.memory_space<vmem>>) dst(%dma_wait3A_346 : memref<128x128xf32, #tpu.memory_space<hbm>>)
        } else {
        }
        %mul3A_322 = arith.constant 128 : i32
        %mul3A_323 = arith.muli %sub3A_285, %mul3A_322 : i32
        %dma_start3A_324 = arith.constant 3 : i32
        %dma_start3A_325 = arith.constant 0 : i32
        %dma_start3A_326 = arith.constant 0 : i32
        %dma_start3A_327 = tpu.memref_slice %arg6[%dma_start3A_324, %dma_start3A_325, %dma_start3A_326] : memref<5x128x128xf32, #tpu.memory_space<vmem>> -> memref<1x128x128xf32, #tpu.memory_space<vmem>>
        %dma_start3A_328 = tpu.memref_squeeze %dma_start3A_327 : memref<1x128x128xf32, #tpu.memory_space<vmem>> -> memref<128x128xf32, #tpu.memory_space<vmem>>
        %dma_start3A_329 = tpu.memref_slice %arg5[%mul3A_323] : memref<25600xi32, #tpu.memory_space<vmem>> -> memref<128xi32, #tpu.memory_space<vmem>>
        %dma_start3A_330 = arith.constant 0 : i32
        %dma_start3A_331 = arith.constant 0 : i32
        %dma_start3A_332 = tpu.memref_slice %arg2[%dma_start3A_330, %dma_start3A_331] : memref<100000x128xf32, #tpu.memory_space<hbm>> -> memref<100000x128xf32, #tpu.memory_space<hbm>>
        tpu.enqueue_indirect_dma source(%dma_start3A_332 : memref<100000x128xf32, #tpu.memory_space<hbm>>) target(%dma_start3A_328 : memref<128x128xf32, #tpu.memory_space<vmem>>) offsets(%dma_start3A_329 : memref<128xi32, #tpu.memory_space<vmem>>) semaphore(%arg10 : memref<!tpu.dma_semaphore, #tpu.memory_space<semaphore_mem>>)
      } else {
      }
      %mul3A_291 = arith.constant 128 : i32
      %mul3A_292 = arith.muli %add3A_281, %mul3A_291 : i32
      %dma_wait3A_293 = arith.constant 4 : i32
      %dma_wait3A_294 = arith.constant 0 : i32
      %dma_wait3A_295 = arith.constant 0 : i32
      %dma_wait3A_296 = tpu.memref_slice %arg6[%dma_wait3A_293, %dma_wait3A_294, %dma_wait3A_295] : memref<5x128x128xf32, #tpu.memory_space<vmem>> -> memref<1x128x128xf32, #tpu.memory_space<vmem>>
      %dma_wait3A_297 = tpu.memref_squeeze %dma_wait3A_296 : memref<1x128x128xf32, #tpu.memory_space<vmem>> -> memref<128x128xf32, #tpu.memory_space<vmem>>
      %dma_wait3A_298 = tpu.memref_slice %arg5[%mul3A_292] : memref<25600xi32, #tpu.memory_space<vmem>> -> memref<128xi32, #tpu.memory_space<vmem>>
      %dma_wait3A_299 = arith.constant 0 : i32
      %dma_wait3A_300 = arith.constant 0 : i32
      %dma_wait3A_301 = tpu.memref_slice %arg2[%dma_wait3A_299, %dma_wait3A_300] : memref<100000x128xf32, #tpu.memory_space<hbm>> -> memref<100000x128xf32, #tpu.memory_space<hbm>>
      tpu.wait_indirect_dma semaphore(%arg11 : memref<!tpu.dma_semaphore, #tpu.memory_space<semaphore_mem>>) src(%dma_wait3A_301 : memref<100000x128xf32, #tpu.memory_space<hbm>>) dst(%dma_wait3A_297 : memref<128x128xf32, #tpu.memory_space<vmem>>)
      %mul3A_302 = arith.constant 128 : i32
      %mul3A_303 = arith.muli %add3A_281, %mul3A_302 : i32
      %add3A_304 = arith.addi %mul3A_2, %mul3A_303 : i32
      %dma_start3A_305 = arith.constant 4 : i32
      %dma_start3A_306 = arith.constant 0 : i32
      %dma_start3A_307 = arith.constant 0 : i32
      %dma_start3A_308 = tpu.memref_slice %arg6[%dma_start3A_305, %dma_start3A_306, %dma_start3A_307] : memref<5x128x128xf32, #tpu.memory_space<vmem>> -> memref<1x128x128xf32, #tpu.memory_space<vmem>>
      %dma_start3A_309 = tpu.memref_squeeze %dma_start3A_308 : memref<1x128x128xf32, #tpu.memory_space<vmem>> -> memref<128x128xf32, #tpu.memory_space<vmem>>
      %dma_start3A_310 = arith.constant 0 : i32
      %dma_start3A_311 = tpu.memref_slice %arg4[%add3A_304, %dma_start3A_310] : memref<819200x128xf32, #tpu.memory_space<hbm>> -> memref<128x128xf32, #tpu.memory_space<hbm>>
      %dma_start3A_312 = arith.constant 0 : i32
      %dma_start3A_313 = tpu.memref_slice %arg4[%add3A_304, %dma_start3A_312] : memref<819200x128xf32, #tpu.memory_space<hbm>> -> memref<128x128xf32, #tpu.memory_space<hbm>>
      %dma_start3A_314 = arith.constant 0 : i32
      %dma_start3A_315 = arith.constant 0 : i32
      %dma_start3A_316 = tpu.memref_slice %arg6[%dma_start3A_305, %dma_start3A_314, %dma_start3A_315] : memref<5x128x128xf32, #tpu.memory_space<vmem>> -> memref<1x128x128xf32, #tpu.memory_space<vmem>>
      %dma_start3A_317 = tpu.memref_squeeze %dma_start3A_316 : memref<1x128x128xf32, #tpu.memory_space<vmem>> -> memref<128x128xf32, #tpu.memory_space<vmem>>
      tpu.enqueue_dma source(%dma_start3A_317 : memref<128x128xf32, #tpu.memory_space<vmem>>) target(%dma_start3A_313 : memref<128x128xf32, #tpu.memory_space<hbm>>) target_semaphore(%arg16 : memref<!tpu.dma_semaphore, #tpu.memory_space<semaphore_mem>>)
    }
    %scan3A_46 = arith.constant 40 : i32
    %add3A_47 = arith.constant 24960 : i32
    %add3A_48 = arith.addi %mul3A_2, %add3A_47 : i32
    %dma_wait3A = arith.constant 0 : i32
    %dma_wait3A_49 = arith.constant 0 : i32
    %dma_wait3A_50 = arith.constant 0 : i32
    %dma_wait3A_51 = tpu.memref_slice %arg6[%dma_wait3A, %dma_wait3A_49, %dma_wait3A_50] : memref<5x128x128xf32, #tpu.memory_space<vmem>> -> memref<1x128x128xf32, #tpu.memory_space<vmem>>
    %dma_wait3A_52 = tpu.memref_squeeze %dma_wait3A_51 : memref<1x128x128xf32, #tpu.memory_space<vmem>> -> memref<128x128xf32, #tpu.memory_space<vmem>>
    %dma_wait3A_53 = arith.constant 0 : i32
    %dma_wait3A_54 = tpu.memref_slice %arg4[%add3A_48, %dma_wait3A_53] : memref<819200x128xf32, #tpu.memory_space<hbm>> -> memref<128x128xf32, #tpu.memory_space<hbm>>
    %dma_wait3A_55 = arith.constant 0 : i32
    %dma_wait3A_56 = tpu.memref_slice %arg4[%add3A_48, %dma_wait3A_55] : memref<819200x128xf32, #tpu.memory_space<hbm>> -> memref<128x128xf32, #tpu.memory_space<hbm>>
    %dma_wait3A_57 = arith.constant 0 : i32
    %dma_wait3A_58 = arith.constant 0 : i32
    %dma_wait3A_59 = tpu.memref_slice %arg6[%dma_wait3A, %dma_wait3A_57, %dma_wait3A_58] : memref<5x128x128xf32, #tpu.memory_space<vmem>> -> memref<1x128x128xf32, #tpu.memory_space<vmem>>
    %dma_wait3A_60 = tpu.memref_squeeze %dma_wait3A_59 : memref<1x128x128xf32, #tpu.memory_space<vmem>> -> memref<128x128xf32, #tpu.memory_space<vmem>>
    tpu.wait_dma2 semaphore(%arg12 : memref<!tpu.dma_semaphore, #tpu.memory_space<semaphore_mem>>) src(%dma_wait3A_60 : memref<128x128xf32, #tpu.memory_space<vmem>>) dst(%dma_wait3A_56 : memref<128x128xf32, #tpu.memory_space<hbm>>)
    %add3A_61 = arith.constant 25088 : i32
    %add3A_62 = arith.addi %mul3A_2, %add3A_61 : i32
    %dma_wait3A_63 = arith.constant 1 : i32
    %dma_wait3A_64 = arith.constant 0 : i32
    %dma_wait3A_65 = arith.constant 0 : i32
    %dma_wait3A_66 = tpu.memref_slice %arg6[%dma_wait3A_63, %dma_wait3A_64, %dma_wait3A_65] : memref<5x128x128xf32, #tpu.memory_space<vmem>> -> memref<1x128x128xf32, #tpu.memory_space<vmem>>
    %dma_wait3A_67 = tpu.memref_squeeze %dma_wait3A_66 : memref<1x128x128xf32, #tpu.memory_space<vmem>> -> memref<128x128xf32, #tpu.memory_space<vmem>>
    %dma_wait3A_68 = arith.constant 0 : i32
    %dma_wait3A_69 = tpu.memref_slice %arg4[%add3A_62, %dma_wait3A_68] : memref<819200x128xf32, #tpu.memory_space<hbm>> -> memref<128x128xf32, #tpu.memory_space<hbm>>
    %dma_wait3A_70 = arith.constant 0 : i32
    %dma_wait3A_71 = tpu.memref_slice %arg4[%add3A_62, %dma_wait3A_70] : memref<819200x128xf32, #tpu.memory_space<hbm>> -> memref<128x128xf32, #tpu.memory_space<hbm>>
    %dma_wait3A_72 = arith.constant 0 : i32
    %dma_wait3A_73 = arith.constant 0 : i32
    %dma_wait3A_74 = tpu.memref_slice %arg6[%dma_wait3A_63, %dma_wait3A_72, %dma_wait3A_73] : memref<5x128x128xf32, #tpu.memory_space<vmem>> -> memref<1x128x128xf32, #tpu.memory_space<vmem>>
    %dma_wait3A_75 = tpu.memref_squeeze %dma_wait3A_74 : memref<1x128x128xf32, #tpu.memory_space<vmem>> -> memref<128x128xf32, #tpu.memory_space<vmem>>
    tpu.wait_dma2 semaphore(%arg13 : memref<!tpu.dma_semaphore, #tpu.memory_space<semaphore_mem>>) src(%dma_wait3A_75 : memref<128x128xf32, #tpu.memory_space<vmem>>) dst(%dma_wait3A_71 : memref<128x128xf32, #tpu.memory_space<hbm>>)
    %add3A_76 = arith.constant 25216 : i32
    %add3A_77 = arith.addi %mul3A_2, %add3A_76 : i32
    %dma_wait3A_78 = arith.constant 2 : i32
    %dma_wait3A_79 = arith.constant 0 : i32
    %dma_wait3A_80 = arith.constant 0 : i32
    %dma_wait3A_81 = tpu.memref_slice %arg6[%dma_wait3A_78, %dma_wait3A_79, %dma_wait3A_80] : memref<5x128x128xf32, #tpu.memory_space<vmem>> -> memref<1x128x128xf32, #tpu.memory_space<vmem>>
    %dma_wait3A_82 = tpu.memref_squeeze %dma_wait3A_81 : memref<1x128x128xf32, #tpu.memory_space<vmem>> -> memref<128x128xf32, #tpu.memory_space<vmem>>
    %dma_wait3A_83 = arith.constant 0 : i32
    %dma_wait3A_84 = tpu.memref_slice %arg4[%add3A_77, %dma_wait3A_83] : memref<819200x128xf32, #tpu.memory_space<hbm>> -> memref<128x128xf32, #tpu.memory_space<hbm>>
    %dma_wait3A_85 = arith.constant 0 : i32
    %dma_wait3A_86 = tpu.memref_slice %arg4[%add3A_77, %dma_wait3A_85] : memref<819200x128xf32, #tpu.memory_space<hbm>> -> memref<128x128xf32, #tpu.memory_space<hbm>>
    %dma_wait3A_87 = arith.constant 0 : i32
    %dma_wait3A_88 = arith.constant 0 : i32
    %dma_wait3A_89 = tpu.memref_slice %arg6[%dma_wait3A_78, %dma_wait3A_87, %dma_wait3A_88] : memref<5x128x128xf32, #tpu.memory_space<vmem>> -> memref<1x128x128xf32, #tpu.memory_space<vmem>>
    %dma_wait3A_90 = tpu.memref_squeeze %dma_wait3A_89 : memref<1x128x128xf32, #tpu.memory_space<vmem>> -> memref<128x128xf32, #tpu.memory_space<vmem>>
    tpu.wait_dma2 semaphore(%arg14 : memref<!tpu.dma_semaphore, #tpu.memory_space<semaphore_mem>>) src(%dma_wait3A_90 : memref<128x128xf32, #tpu.memory_space<vmem>>) dst(%dma_wait3A_86 : memref<128x128xf32, #tpu.memory_space<hbm>>)
    %add3A_91 = arith.constant 25344 : i32
    %add3A_92 = arith.addi %mul3A_2, %add3A_91 : i32
    %dma_wait3A_93 = arith.constant 3 : i32
    %dma_wait3A_94 = arith.constant 0 : i32
    %dma_wait3A_95 = arith.constant 0 : i32
    %dma_wait3A_96 = tpu.memref_slice %arg6[%dma_wait3A_93, %dma_wait3A_94, %dma_wait3A_95] : memref<5x128x128xf32, #tpu.memory_space<vmem>> -> memref<1x128x128xf32, #tpu.memory_space<vmem>>
    %dma_wait3A_97 = tpu.memref_squeeze %dma_wait3A_96 : memref<1x128x128xf32, #tpu.memory_space<vmem>> -> memref<128x128xf32, #tpu.memory_space<vmem>>
    %dma_wait3A_98 = arith.constant 0 : i32
    %dma_wait3A_99 = tpu.memref_slice %arg4[%add3A_92, %dma_wait3A_98] : memref<819200x128xf32, #tpu.memory_space<hbm>> -> memref<128x128xf32, #tpu.memory_space<hbm>>
    %dma_wait3A_100 = arith.constant 0 : i32
    %dma_wait3A_101 = tpu.memref_slice %arg4[%add3A_92, %dma_wait3A_100] : memref<819200x128xf32, #tpu.memory_space<hbm>> -> memref<128x128xf32, #tpu.memory_space<hbm>>
    %dma_wait3A_102 = arith.constant 0 : i32
    %dma_wait3A_103 = arith.constant 0 : i32
    %dma_wait3A_104 = tpu.memref_slice %arg6[%dma_wait3A_93, %dma_wait3A_102, %dma_wait3A_103] : memref<5x128x128xf32, #tpu.memory_space<vmem>> -> memref<1x128x128xf32, #tpu.memory_space<vmem>>
    %dma_wait3A_105 = tpu.memref_squeeze %dma_wait3A_104 : memref<1x128x128xf32, #tpu.memory_space<vmem>> -> memref<128x128xf32, #tpu.memory_space<vmem>>
    tpu.wait_dma2 semaphore(%arg15 : memref<!tpu.dma_semaphore, #tpu.memory_space<semaphore_mem>>) src(%dma_wait3A_105 : memref<128x128xf32, #tpu.memory_space<vmem>>) dst(%dma_wait3A_101 : memref<128x128xf32, #tpu.memory_space<hbm>>)
    %add3A_106 = arith.constant 25472 : i32
    %add3A_107 = arith.addi %mul3A_2, %add3A_106 : i32
    %dma_wait3A_108 = arith.constant 4 : i32
    %dma_wait3A_109 = arith.constant 0 : i32
    %dma_wait3A_110 = arith.constant 0 : i32
    %dma_wait3A_111 = tpu.memref_slice %arg6[%dma_wait3A_108, %dma_wait3A_109, %dma_wait3A_110] : memref<5x128x128xf32, #tpu.memory_space<vmem>> -> memref<1x128x128xf32, #tpu.memory_space<vmem>>
    %dma_wait3A_112 = tpu.memref_squeeze %dma_wait3A_111 : memref<1x128x128xf32, #tpu.memory_space<vmem>> -> memref<128x128xf32, #tpu.memory_space<vmem>>
    %dma_wait3A_113 = arith.constant 0 : i32
    %dma_wait3A_114 = tpu.memref_slice %arg4[%add3A_107, %dma_wait3A_113] : memref<819200x128xf32, #tpu.memory_space<hbm>> -> memref<128x128xf32, #tpu.memory_space<hbm>>
    %dma_wait3A_115 = arith.constant 0 : i32
    %dma_wait3A_116 = tpu.memref_slice %arg4[%add3A_107, %dma_wait3A_115] : memref<819200x128xf32, #tpu.memory_space<hbm>> -> memref<128x128xf32, #tpu.memory_space<hbm>>
    %dma_wait3A_117 = arith.constant 0 : i32
    %dma_wait3A_118 = arith.constant 0 : i32
    %dma_wait3A_119 = tpu.memref_slice %arg6[%dma_wait3A_108, %dma_wait3A_117, %dma_wait3A_118] : memref<5x128x128xf32, #tpu.memory_space<vmem>> -> memref<1x128x128xf32, #tpu.memory_space<vmem>>
    %dma_wait3A_120 = tpu.memref_squeeze %dma_wait3A_119 : memref<1x128x128xf32, #tpu.memory_space<vmem>> -> memref<128x128xf32, #tpu.memory_space<vmem>>
    tpu.wait_dma2 semaphore(%arg16 : memref<!tpu.dma_semaphore, #tpu.memory_space<semaphore_mem>>) src(%dma_wait3A_120 : memref<128x128xf32, #tpu.memory_space<vmem>>) dst(%dma_wait3A_116 : memref<128x128xf32, #tpu.memory_space<hbm>>)
    return
  }
}

</mosaic_0001>

<sc_bundles>
// kernel: kernel.3.cloned.1.call-start
scs
__scs_entry_jumppad:
0x0: {  	(pc) =	sbr.rel $0x88, $3  }
0x1: {  	(tag) =	ssettag $0x0;
	lr =	simm.s32 $0x1  }
0x2: {  	[smem:$0x3F9F] =	sst lr;
	_ =	strace $0xD0000000  }
0x3: {  	_ = 	snop  }
0x4: {  	_ = 	snop  }
0x5: {  	_ = 	snop  }
0x6: {  	_ = 	snop  }
0x7: {  	_ = 	snop  }
__scs_overlays_trampoline_lowered:
0x8: {  	[smem:$0x3FAE] =	sst s0  }
0x9: {  	[smem:$0x3FAF] =	sst s1  }
0xa: {  	[smem:$0x3FB0] =	sst s2  }
0xb: {  	[smem:$0x3FB1] =	sst s3  }
0xc: {  	[smem:$0x3FB2] =	sst s4  }
0xd: {  	[smem:$0x3FB3] =	sst s5  }
0xe: {  	[smem:$0x3FB4] =	sst s6  }
0xf: {  	[smem:$0x3FB5] =	sst s7  }
0x10: {  	[smem:$0x3FB6] =	sst s8  }
0x11: {  	[smem:$0x3FB7] =	sst s9;
	s0 =	simm.s32 @!p0 $0x0  }
0x12: {  	s1 =	sld [smem:$0x3F9D];
	s0 =	simm.s32 @p0 $0x1  }
0x13: {  	[smem:$0x3FB8] =	sst s0;
	s0 =	simm.s32 @!p1 $0x0  }
0x14: {  	s2 =	sld [smem:$0x3F9C];
	s0 =	simm.s32 @p1 $0x1  }
0x15: {  	[smem:$0x3FB9] =	sst s0;
	s0 =	simm.s32 @!p2 $0x0  }
0x16: {  	s3 =	sld [smem:$0x3FDB];
	s0 =	simm.s32 @p2 $0x1  }
0x17: {  	s4 =	simm.s32 $0x1BF5;
	[smem:$0x3FBB] =	sst s0  }
0x18: {  	s0 =	sld [smem:$0x3F9E];
	_ =	swait.ge [sflag:s4], $0x0  }
0x19: {  	s7 =	sld [smem:$0x3F9F]  }
0x1a: {  	s8 =	sadd.s32 $0xFFFFE003, lr  }
0x1b: {  	s9 =	sadd.s32 $0xFFFFFEF7, lr;
	s5 =	simm.s32 $0xFFFFFFFF;
	p2 =	slt.u32 s8, $0xFFFFF086  }
0x1c: {  	p1 =	slt.u32 s9, $0xF7A;
	s5 =	simm.s32 @!p2 $0x0  }
0x1d: {  	s5 =	simm.s32 @p1 $0x1;
	p0 =	seq.s32 s7, s2  }
0x1e: {  	s7 =	smul.u32 @!p0 $0xF7A, s2;
	p2 =	seq.s32 @!p0 s5, $0x0  }
0x1f: {  	s9 =	smul.u32 $0xF7A, s1;
	s8 =	simm.s32 @!p0 $0x1BF5;
	p2 =	por !p2, p0  }
0x20: {  	[sflag:s8] =	ssyncset.s32 @!p0 $0xFFFFF086;
	s6 =	sadd.s32 @!p0 s3, s7;
	s7 =	simm.s32 @!p0 $0x108  }
0x21: {  	s3 =	sadd.s32 s3, s9;
	s6 =	sadd.s32 @!p0 $0x88, s6;
	s7 =	simm.s32 @p2 $0x1082  }
0x22: {  	[simem:s7], [sflag:s8] =	dma.local @!p0 [hbm:s6], $0xF7A  }
0x23: {  	s9 =	sor.u32 $0xD0000000, s2;
	s6 =	simm.s32 $0x108;
	_ =	swait.ge @!p0 [sflag:s8], $0x0  }
0x24: {  	s3 =	sadd.s32 $0x88, s3;
	s6 =	simm.s32 @!p1 $0x1082;
	[sflag:s4] =	ssyncset.s32 $0xFFFFF086  }
0x25: {  	[simem:s6], [sflag:s4] =	dma.local [hbm:s3], $0xF7A  }
0x26: {  	[smem:$0x3F9F] =	sst s1;
	(tag) =	ssettag s2;
	_ =	strace s9  }
0x27: {  	s1 =	sld [smem:$0x3FAF]  }
0x28: {  	s2 =	sld [smem:$0x3FB0]  }
0x29: {  	s4 =	sld [smem:$0x3FB2]  }
0x2a: {  	p0 =	seq.s32 s5, $0x0;
	s5 =	sld [smem:$0x3FB3]  }
0x2b: {  	s6 =	sld [smem:$0x3FB4]  }
0x2c: {  	s7 =	sld [smem:$0x3FB5]  }
0x2d: {  	s3 =	simm.s32 $0x108;
	s8 =	sld [smem:$0x3FB6]  }
0x2e: {  	s3 =	simm.s32 @!p0 $0x1082;
	s9 =	sld [smem:$0x3FB7]  }
0x2f: {  	lr =	sadd.s32 s0, s3;
	s0 =	sld [smem:$0x3FAE]  }
0x30: {  	s3 =	sld [smem:$0x3FB1]  }
0x31: {  	[smem:$0x3FBA] =	sst s10  }
0x32: {  	s10 =	sld [smem:$0x3FB8];
	_ =	sdelay $0x3  }
0x33: {  	p0 =	seq.s32 s10, $0x1;
	s10 =	sld [smem:$0x3FBA];
	_ =	sdelay $0x3  }
0x34: {  	[smem:$0x3FBA] =	sst s10  }
0x35: {  	s10 =	sld [smem:$0x3FB9];
	_ =	sdelay $0x3  }
0x36: {  	p1 =	seq.s32 s10, $0x1;
	s10 =	sld [smem:$0x3FBA];
	_ =	sdelay $0x3  }
0x37: {  	[smem:$0x3FBA] =	sst s10  }
0x38: {  	s10 =	sld [smem:$0x3FBB]  }
0x39: {  	_ = 	snop;
	(pc) =	sbr.ind lr, $3  }
0x3a: {  	_ = 	snop  }
0x3b: {  	_ = 	snop  }
0x3c: {  	p2 =	seq.s32 s10, $0x1;
	s10 =	sld [smem:$0x3FBA]  }
0x3d: {  	_ =	shalt  }
0x3e: {  	_ =	shalt  }
0x3f: {  	_ =	shalt  }
0x40: {  	_ =	shalt  }
0x41: {  	_ =	shalt  }
0x42: {  	_ =	shalt  }
0x43: {  	_ =	shalt  }
0x44: {  	_ =	shalt  }
0x45: {  	_ =	shalt  }
0x46: {  	_ =	shalt  }
0x47: {  	_ =	shalt  }
0x48: {  	_ =	shalt  }
0x49: {  	_ =	shalt  }
0x4a: {  	_ =	shalt  }
0x4b: {  	_ =	shalt  }
0x4c: {  	_ =	shalt  }
0x4d: {  	_ =	shalt  }
0x4e: {  	_ =	shalt  }
0x4f: {  	_ =	shalt  }
0x50: {  	_ =	shalt  }
0x51: {  	_ =	shalt  }
0x52: {  	_ =	shalt  }
0x53: {  	_ =	shalt  }
0x54: {  	_ =	shalt  }
0x55: {  	_ =	shalt  }
0x56: {  	_ =	shalt  }
0x57: {  	_ =	shalt  }
0x58: {  	_ =	shalt  }
0x59: {  	_ =	shalt  }
0x5a: {  	_ =	shalt  }
0x5b: {  	_ =	shalt  }
0x5c: {  	_ =	shalt  }
0x5d: {  	_ =	shalt  }
0x5e: {  	_ =	shalt  }
0x5f: {  	_ =	shalt  }
0x60: {  	_ =	shalt  }
0x61: {  	_ =	shalt  }
0x62: {  	_ =	shalt  }
0x63: {  	_ =	shalt  }
0x64: {  	_ =	shalt  }
0x65: {  	_ =	shalt  }
0x66: {  	_ =	shalt  }
0x67: {  	_ =	shalt  }
0x68: {  	_ =	shalt  }
0x69: {  	_ =	shalt  }
0x6a: {  	_ =	shalt  }
0x6b: {  	_ =	shalt  }
0x6c: {  	_ =	shalt  }
0x6d: {  	_ =	shalt  }
0x6e: {  	_ =	shalt  }
0x6f: {  	_ =	shalt  }
0x70: {  	_ =	shalt  }
0x71: {  	_ =	shalt  }
0x72: {  	_ =	shalt  }
0x73: {  	_ =	shalt  }
0x74: {  	_ =	shalt  }
0x75: {  	_ =	shalt  }
0x76: {  	_ =	shalt  }
0x77: {  	_ =	shalt  }
0x78: {  	_ =	shalt  }
0x79: {  	_ =	shalt  }
0x7a: {  	_ =	shalt  }
0x7b: {  	_ =	shalt  }
0x7c: {  	_ =	shalt  }
0x7d: {  	_ =	shalt  }
0x7e: {  	_ =	shalt  }
0x7f: {  	_ =	shalt  }
0x80: {  	_ =	shalt  }
0x81: {  	_ =	shalt  }
0x82: {  	_ =	shalt  }
0x83: {  	_ =	shalt  }
0x84: {  	_ =	shalt  }
0x85: {  	_ =	shalt  }
0x86: {  	_ =	shalt  }
0x87: {  	_ =	shalt  }
.Lfunc_end0:
.L_simem_size_0:
called_computation_lowered:
.L_overlay_start_0:
0x88: {  	s2 =	sld [smem:$0x3FD9]  }
0x89: {  	s3 =	sld [smem:$0x3FFE];
	_ =	sdelay $0x1  }
0x8a: {  	s1 =	srdreg.scid  }
0x8b: {  	s0 =	sand.u32 $0x1, s1  }
0x8c: {  	s17 =	sshll.u32 s0, $0xA;
	s2 =	sadd.s32 s3, s2  }
0x8d: {  	s2 =	sadd.s32 s2, s17  }
0x8e: {  	[smem:$0x3FC6] =	sst s2  }
0x8f: {  	_ = 	snop  }
0x90: {  	s2 =	sld [smem:$0x3FC8]  }
0x91: {  	s18 =	sld [smem:$0x3FD0];
	(tm) =	ssettm $0x1  }
0x92: {  	s4 =	sld [smem:$0x3FFB];
	_ =	sdelay $0x3  }
0x93: {  	_ =	strace s4  }
0x94: {  	s4 =	sld [smem:$0x3FFC];
	_ =	sdelay $0x3  }
0x95: {  	_ =	strace s4  }
0x96: {  	s4 =	sld [smem:$0x3FFD];
	_ =	sdelay $0x3  }
0x97: {  	_ =	strace s4  }
0x98: {  	_ =	strace $0x8FFFFFFF  }
0x99: {  	s19 =	sld [smem:$0x3FDB];
	_ =	sdelay $0x1  }
0x9a: {  	s5 =	simm.s32 $_scs_section_size  }
0x9b: {  	s6 =	simm.s32 $_size__tile_overlayer_lowered;
	s7 =	simm.s32 $_tile_overlayer_lowered  }
0x9c: {  	s22 =	simm.s32 $0x1BFF;
	s21 =	sshll.u32 s7, $0x1;
	s4 =	sadd.s32 s5, s19  }
0x9d: {  	s8 =	simm.s32 $0x0;
	s20 =	sshll.u32 s6, $0x1;
	s6 =	sadd.s32 s21, s4  }
0x9e: {  	[timem:s8], [sflag:s22] =	dma.local [hbm:s6], s20  }
0x9f: {  	_ =	swait.ge [sflag:s22], s20  }
0xa0: {  	s5 =	ssub.s32 $0x0, s20;
	[sflag:s22] =	ssyncset.done $0x0  }
0xa1: {  	[sflag:s22] =	ssyncadd.s32 s5;
	_ =	sdelay $0x1  }
0xa2: {  	s23 =	simm.s32 $0x1B8B  }
0xa3: {  	_ =	swait.ge [sflag:s23], $0x1  }
0xa4: {  	[sflag:s23] =	ssyncset.done $0x0  }
0xa5: {  	s25 =	simm.s32 $0x1B8E;
	s24 =	sld [smem:$0x3FFE];
	[sflag:s23] =	ssyncadd.s32 $0xFFFFFFFF  }
0xa6: {  	s26 =	simm.s32 $execute0_lowered;
	[smem:$0x3FD2] =	sst s25  }
0xa7: {  	s6 =	sshll.u32 s26, $0x1;
	_ =	strace $0x80000046;
	[dreg:$0x1] =	wrdreg $0xFFFFFFFF  }
0xa8: {  	s28 =	simm.s32 $_size_execute0_lowered;
	s4 =	sadd.s32 s4, s6;
	[dreg:$0x0] =	wrdreg $0x0  }
0xa9: {  	s6 =	sshll.u32 s28, $0x1;
	[dreg:$0x2] =	wrdreg s4  }
0xaa: {  	[dreg:$0x3] =	wrdreg s6  }
0xab: {  	[dreg:$0x4] =	wrdreg $0xC0  }
0xac: {  	_ =	task [dreg:s8], $0x5FFFF  }
0xad: {  	[dreg:$0x1] =	wrdreg $0xFFFFFFFF  }
0xae: {  	[dreg:$0x0] =	wrdreg $0x60  }
0xaf: {  	[dreg:$0x2] =	wrdreg s2  }
0xb0: {  	[dreg:$0x3] =	wrdreg s24  }
0xb1: {  	[dreg:$0x4] =	wrdreg s18  }
0xb2: {  	[dreg:$0x5] =	wrdreg $0x9  }
0xb3: {  	_ =	task.clear_ibuf [dreg:s8], $0x6FFFF;
	_ =	strace $0x90000046  }
0xb4: {  	s29 =	simm.s32 $0x9;
	_ =	strace $0x80000048  }
0xb5: {  	_ =	swait.ge [sflag:s29], $0x1  }
0xb6: {  	[sflag:s29] =	ssyncadd.s32 $0xFFFFFFFF  }
0xb7: {  	_ =	strace $0x90000048  }
0xb8: {  	_ =	sfence  }
0xb9: {  	s30 =	sld [smem:$0x0];
	_ =	sdelay $0x2  }
0xba: {  	s31 =	sshll.u32 s1, $0xD;
	s1 =	sshrl.u32 s1, $0x2  }
0xbb: {  	s3 =	sand.u32 $0x4000, s31;
	s1 =	sadd.s32 s1, s30  }
0xbc: {  	s0 =	sor.u32 s3, s0;
	s1 =	sshll.u32 s1, $0x11  }
0xbd: {  	s0 =	sor.u32 s1, s0  }
0xbe: {  	s0 =	sadd.s32 $0x8F2B, s0  }
0xbf: {  	[sflag:s0] =	ssyncadd.remote.s32 $0x1  }
0xc0: {  	_ =	sfence.sel $0xFFFF  }
0xc1: {  	[dreg:$0x0] =	wrdreg $0xFFFFFFFF;
	(pc) =	sbr.abs _section_cstart, $3  }
0xc2: {  	[dreg:$0x1] =	wrdreg $0xFFFFFFFF  }
0xc3: {  	_ =	task.clear_ibuf [dreg:s8], $0x2FFFF;
	_ =	strace $0x9FFFFFFF  }
0xc4: {  	(tm) =	ssettm $0x7FFFFFFF  }
0xc5: {  	_ =	shalt  }
tec
execute0_lowered:
.L_overlay_start_1:
0x0: {  	(tag) =	ssettag $0x1  }
0x1: {  	s1 =	rddreg [dreg:$0x0]  }
0x2: {  	s0 =	rddreg [dreg:$0x1];
	s2 =	srdreg.scid  }
0x3: {  	s11 =	stileid.u32;
	s3 =	rddreg [dreg:$0x2];
	s4 =	simm.s32 $0x0  }
0x4: {  	s13 =	simm.s32 $0xE400;
	s16 =	simm.s32 $0x16400;
	s17 =	simm.s32 $0x1  }
0x5: {  	s18 =	simm.s32 $0x3;
	s19 =	simm.s32 $0x5;
	s8 =	smul.u32 $0x640000, s11  }
0x6: {  	s21 =	simm.s32 $0x7;
	s2 =	sand.u32 $0x1, s2;
	s28 =	smul.u32 $0xC8000, s11  }
0x7: {  	s22 =	simm.s32 $0x8;
	s5 =	sshll.u32 s11, $0x1;
	s10 =	smul.u32 $0x320000, s2  }
0x8: {  	s5 =	sor.u32 s2, s5;
	s7 =	ssub.s32 $0x2, s2;
	s2 =	smul.u32 $0x64000, s2  }
0x9: {  	s23 =	simm.s32 $0x9;
	s24 =	simm.s32 $0xA;
	s6 =	smul.u32 $0x6400, s5  }
0xa: {  	[smem:$0x7FF] =	sst s4;
	s5 =	smul.u32 $0x64000, s5;
	s9 =	sshrl.u32 s7, $0x1  }
0xb: {  	_ =	strace $0x80000047;
	s25 =	ssub.s32 s7, s9;
	s8 =	sadd.s32 s10, s8  }
0xc: {  	s7 =	sadd.s32 s2, s28;
	s5 =	sadd.s32 s3, s5;
	s31 =	smax.u32 s25, $0x1  }
0xd: {  	s6 =	sshrl.u32 s6, $0x3;
	s26 =	sadd.s32 $0x62000, s5;
	[dreg:$0x8] =	wrdreg s31  }
0xe: {  	s8 =	sor.u32 $0x10000, s8;
	s29 =	sadd.s32 $0x63000, s5;
	[dreg:$0x4] =	wrdreg s26  }
0xf: {  	s0 =	sadd.s32 s6, s0;
	s30 =	sshrl.u32 s8, $0x3;
	[dreg:$0x5] =	wrdreg s29  }
0x10: {  	s9 =	simm.s32 $0x80;
	s0 =	sadd.s32 $0x400, s0;
	[dreg:$0x6] =	wrdreg s30  }
0x11: {  	s10 =	simm.s32 $0x6400;
	s25 =	simm.s32 $0x0;
	[dreg:$0x7] =	wrdreg s0  }
.LBB2_1:
0x12: {  	s0 =	rddreg [dreg:$0x7];
	s12 =	simm.s32 $0xB  }
0x13: {  	[tilespmem:s4], [sflag:$0xB] =	stream.linear.gather [hbm4b:s0+s4], $0x6400, $0x38;
	[tilespmem:$0x1A400] =	vst v63  }
0x14: {  	_ =	swait.ge [sflag:s12], $0x6400  }
0x15: {  	[sflag:s12] =	ssyncset.done $0x0  }
0x16: {  	[sflag:s12] =	ssyncadd.s32 $0xFFFF9C00  }
0x17: {  	[tilespmem:s10], [sflag:$0x1] =	stream.indirect.gather [hbm4b:s1+s9], $0x80, s4, s9, $0xb8;
	[tilespmem:$0x1A400] =	vst v63  }
0x18: {  	s14 =	simm.s32 $0xA400;
	p0 =	por $0x1, $0x1  }
0x19: {  	[tilespmem:s14], [sflag:$0x2] =	stream.indirect.gather [hbm4b:s1+s9], $0x80, s9, s9, $0xb8;
	[tilespmem:$0x1A400] =	vst v63  }
0x1a: {  	s15 =	simm.s32 $0x100;
	p0 =	por p0, p0  }
0x1b: {  	[tilespmem:s13], [sflag:$0x3] =	stream.indirect.gather [hbm4b:s1+s9], $0x80, s15, s9, $0xb8;
	[tilespmem:$0x1A400] =	vst v63  }
0x1c: {  	s20 =	simm.s32 $0x180;
	s2 =	simm.s32 $0x12400;
	s0 =	simm.s32 @!p0 $0xA  }
0x1d: {  	[tilespmem:s2], [sflag:$0x4] =	stream.indirect.gather [hbm4b:s1+s9], $0x80, s20, s9, $0xb8;
	[tilespmem:$0x1A400] =	vst v63  }
0x1e: {  	_ =	swait.ge @!p0 [sflag:s0], $0x4000  }
0x1f: {  	[sflag:s0] =	ssyncset.done @!p0 $0x0  }
0x20: {  	s26 =	simm.s32 $0x200;
	[sflag:s0] =	ssyncadd.s32 @!p0 $0xFFFFC000  }
0x21: {  	[tilespmem:s16], [sflag:$0x5] =	stream.indirect.gather [hbm4b:s1+s9], $0x80, s26, s9, $0xb8;
	[tilespmem:$0x1A400] =	vst v63  }
0x22: {  	_ =	swait.ge [sflag:s17], $0x4000  }
0x23: {  	p0 =	por $0x0, $0x0;
	[sflag:s17] =	ssyncset.done $0x0  }
0x24: {  	s31 =	sadd.s32 s3, s7;
	s2 =	simm.s32 @p0 $0x2;
	[sflag:s17] =	ssyncadd.s32 $0xFFFFC000  }
0x25: {  	[hbm4b:s31+s4] =	stream.linear.scatter [tilespmem:s10], [sflag:$0x6], $0x4000, $0x38;
	[tilespmem:$0x1A400] =	vst v63  }
0x26: {  	_ =	swait.ge @p0 [sflag:s2], $0x4000  }
0x27: {  	s26 =	simm.s32 @p0 $0xA400;
	s28 =	simm.s32 @!p0 $0x6;
	[sflag:s2] =	ssyncset.done @p0 $0x0  }
0x28: {  	s11 =	rddreg [dreg:$0x4];
	[sflag:s2] =	ssyncadd.s32 @p0 $0xFFFFC000;
	s2 =	simm.s32 @p0 $0x0  }
0x29: {  	[hbm4b:s11+s2] =	stream.linear.scatter @p0 [tilespmem:s26], [sflag:$0x7], $0x4000, $0x38;
	[tilespmem:$0x1A400] =	vst v63  }
0x2a: {  	_ =	swait.ge @!p0 [sflag:s28], $0x4000  }
0x2b: {  	s29 =	simm.s32 @!p0 $0x6400;
	s11 =	simm.s32 @!p0 $0x280;
	[sflag:s28] =	ssyncset.done @!p0 $0x0  }
0x2c: {  	s26 =	simm.s32 @!p0 $0x80;
	[sflag:s28] =	ssyncadd.s32 @!p0 $0xFFFFC000;
	s28 =	simm.s32 @!p0 $0x2  }
0x2d: {  	[tilespmem:s29], [sflag:$0x1] =	stream.indirect.gather @!p0 [hbm4b:s1+s26], $0x80, s11, s26, $0xb8;
	[tilespmem:$0x1A400] =	vst v63  }
0x2e: {  	_ =	swait.ge @!p0 [sflag:s28], $0x4000  }
0x2f: {  	s30 =	simm.s32 @!p0 $0x0;
	s11 =	sadd.s32 @!p0 s3, s7;
	[sflag:s28] =	ssyncset.done @!p0 $0x0  }
0x30: {  	s29 =	sadd.s32 @!p0 $0x800, s11;
	[sflag:s28] =	ssyncadd.s32 @!p0 $0xFFFFC000;
	s28 =	simm.s32 @!p0 $0xA400  }
0x31: {  	[hbm4b:s29+s30] =	stream.linear.scatter @!p0 [tilespmem:s28], [sflag:$0x7], $0x4000, $0x38;
	[tilespmem:$0x1A400] =	vst v63  }
0x32: {  	s29 =	simm.s32 @!p0 $0x7  }
0x33: {  	_ =	swait.ge @!p0 [sflag:s29], $0x4000  }
0x34: {  	[sflag:s29] =	ssyncset.done @!p0 $0x0  }
0x35: {  	[sflag:s29] =	ssyncadd.s32 @!p0 $0xFFFFC000;
	s29 =	simm.s32 @!p0 $0x300  }
0x36: {  	[tilespmem:s28], [sflag:$0x2] =	stream.indirect.gather @!p0 [hbm4b:s1+s26], $0x80, s29, s26, $0xb8;
	[tilespmem:$0x1A400] =	vst v63  }
0x37: {  	_ =	swait.ge [sflag:s18], $0x4000  }
0x38: {  	[sflag:s18] =	ssyncset.done $0x0  }
0x39: {  	s0 =	sadd.s32 $0x1000, s31;
	s28 =	simm.s32 @p0 $0x4;
	[sflag:s18] =	ssyncadd.s32 $0xFFFFC000  }
0x3a: {  	[hbm4b:s0+s4] =	stream.linear.scatter [tilespmem:s13], [sflag:$0x8], $0x4000, $0x38;
	[tilespmem:$0x1A400] =	vst v63  }
0x3b: {  	_ =	swait.ge @p0 [sflag:s28], $0x4000  }
0x3c: {  	[sflag:s28] =	ssyncset.done @p0 $0x0  }
0x3d: {  	s0 =	rddreg [dreg:$0x5];
	[sflag:s28] =	ssyncadd.s32 @p0 $0xFFFFC000;
	s28 =	simm.s32 @p0 $0x12400  }
0x3e: {  	[hbm4b:s0+s2] =	stream.linear.scatter @p0 [tilespmem:s28], [sflag:$0x9], $0x4000, $0x38;
	[tilespmem:$0x1A400] =	vst v63  }
0x3f: {  	s0 =	simm.s32 @!p0 $0x8  }
0x40: {  	_ =	swait.ge @!p0 [sflag:s0], $0x4000  }
0x41: {  	s2 =	simm.s32 @!p0 $0x380;
	[sflag:s0] =	ssyncset.done @!p0 $0x0  }
0x42: {  	s28 =	simm.s32 @!p0 $0xE400;
	[sflag:s0] =	ssyncadd.s32 @!p0 $0xFFFFC000;
	s0 =	simm.s32 @!p0 $0x4  }
0x43: {  	[tilespmem:s28], [sflag:$0x3] =	stream.indirect.gather @!p0 [hbm4b:s1+s26], $0x80, s2, s26, $0xb8;
	[tilespmem:$0x1A400] =	vst v63  }
0x44: {  	_ =	swait.ge @!p0 [sflag:s0], $0x4000  }
0x45: {  	s2 =	sadd.s32 @!p0 $0x1800, s11;
	[sflag:s0] =	ssyncset.done @!p0 $0x0  }
0x46: {  	s11 =	simm.s32 @!p0 $0x12400;
	[sflag:s0] =	ssyncadd.s32 @!p0 $0xFFFFC000;
	s0 =	simm.s32 @!p0 $0x9  }
0x47: {  	[hbm4b:s2+s30] =	stream.linear.scatter @!p0 [tilespmem:s11], [sflag:$0x9], $0x4000, $0x38;
	[tilespmem:$0x1A400] =	vst v63  }
0x48: {  	_ =	swait.ge @!p0 [sflag:s0], $0x4000  }
0x49: {  	p6 =	por $0x0, $0x0;
	[sflag:s0] =	ssyncset.done @!p0 $0x0  }
0x4a: {  	s29 =	simm.s32 $0x1400;
	s2 =	simm.s32 @!p0 $0x400;
	[sflag:s0] =	ssyncadd.s32 @!p0 $0xFFFFC000  }
0x4b: {  	[tilespmem:s11], [sflag:$0x4] =	stream.indirect.gather @!p0 [hbm4b:s1+s26], $0x80, s2, s26, $0xb8;
	[tilespmem:$0x1A400] =	vst v63  }
0x4c: {  	s28 =	simm.s32 $0xA00;
	s30 =	smov.u32 s3;
	_ =	swait.ge [sflag:s19], $0x4000  }
0x4d: {  	p0 =	por p6, p6;
	s26 =	sadd.s32 $0x2800, s3;
	[sflag:s19] =	ssyncset.done $0x0  }
0x4e: {  	s0 =	simm.s32 @!p0 $0xA;
	s2 =	rddreg [dreg:$0x6];
	[sflag:s19] =	ssyncadd.s32 $0xFFFFC000  }
.LBB2_2:
0x4f: {  	s2 =	sadd.s32 s30, s2  }
0x50: {  	[hbm4b:s2+s4] =	stream.linear.scatter [tilespmem:s16], [sflag:$0xA], $0x4000, $0x38;
	[tilespmem:$0x1A400] =	vst v63  }
0x51: {  	_ =	swait.ge @!p0 [sflag:s0], $0x4000  }
0x52: {  	s14 =	sshra.s32 s28, $0x2;
	[sflag:s0] =	ssyncset.done @!p0 $0x0  }
0x53: {  	p2 =	seq.s32 s29, $0x0;
	s15 =	sadd.s32 $0x200, s14;
	[sflag:s0] =	ssyncadd.s32 @!p0 $0xFFFFC000  }
0x54: {  	[tilespmem:s16], [sflag:$0x5] =	stream.indirect.gather [hbm4b:s1+s9], $0x80, s15, s9, $0xb8;
	[tilespmem:$0x1A400] =	vst v63  }
0x55: {  	s12 =	smov.u32 s29;
	s14 =	sadd.s32 s26, s7;
	_ =	swait.ge [sflag:s17], $0x4000  }
0x56: {  	p0 =	por p2, p2;
	p2 =	seq.s32 s28, $0x18600;
	[sflag:s17] =	ssyncset.done $0x0  }
0x57: {  	s0 =	simm.s32 @p2 $0x2;
	s28 =	sshra.s32 @!p2 s28, $0x2;
	[sflag:s17] =	ssyncadd.s32 $0xFFFFC000  }
0x58: {  	[hbm4b:s14+s4] =	stream.linear.scatter [tilespmem:s10], [sflag:$0x6], $0x4000, $0x38;
	[tilespmem:$0x1A400] =	vst v63  }
0x59: {  	s8 =	simm.s32 @p2 $0x0;
	s20 =	simm.s32 @!p2 $0x6;
	_ =	swait.ge @p2 [sflag:s0], $0x4000  }
0x5a: {  	s15 =	sadd.s32 @!p2 $0x280, s28;
	s6 =	sadd.s32 @!p2 $0x300, s28;
	[sflag:s0] =	ssyncset.done @p2 $0x0  }
0x5b: {  	s31 =	rddreg [dreg:$0x4];
	[sflag:s0] =	ssyncadd.s32 @p2 $0xFFFFC000;
	s0 =	simm.s32 @p2 $0xA400  }
0x5c: {  	[hbm4b:s31+s8] =	stream.linear.scatter @p2 [tilespmem:s0], [sflag:$0x7], $0x4000, $0x38;
	[tilespmem:$0x1A400] =	vst v63  }
0x5d: {  	s11 =	sadd.s32 @!p2 $0x380, s28;
	s31 =	sadd.s32 @!p2 $0x400, s28;
	_ =	swait.ge @!p2 [sflag:s20], $0x4000  }
0x5e: {  	s28 =	smov.u32 s12;
	s0 =	simm.s32 @!p2 $0x80;
	[sflag:s20] =	ssyncset.done @!p2 $0x0  }
0x5f: {  	s12 =	simm.s32 @!p2 $0x6400;
	[sflag:s20] =	ssyncadd.s32 @!p2 $0xFFFFC000;
	s20 =	simm.s32 @!p2 $0x2  }
0x60: {  	[tilespmem:s12], [sflag:$0x1] =	stream.indirect.gather @!p2 [hbm4b:s1+s0], $0x80, s15, s0, $0xb8;
	[tilespmem:$0x1A400] =	vst v63  }
0x61: {  	s2 =	sadd.s32 @!p2 s26, s7;
	_ =	swait.ge @!p2 [sflag:s20], $0x4000  }
0x62: {  	s5 =	sadd.s32 @!p2 $0x800, s2;
	s12 =	simm.s32 @!p2 $0x0;
	[sflag:s20] =	ssyncset.done @!p2 $0x0  }
0x63: {  	s15 =	simm.s32 @!p2 $0xA400;
	[sflag:s20] =	ssyncadd.s32 @!p2 $0xFFFFC000;
	s20 =	simm.s32 @!p2 $0x7  }
0x64: {  	[hbm4b:s5+s12] =	stream.linear.scatter @!p2 [tilespmem:s15], [sflag:$0x7], $0x4000, $0x38;
	[tilespmem:$0x1A400] =	vst v63  }
0x65: {  	_ =	swait.ge @!p2 [sflag:s20], $0x4000  }
0x66: {  	[sflag:s20] =	ssyncset.done @!p2 $0x0  }
0x67: {  	[sflag:s20] =	ssyncadd.s32 @!p2 $0xFFFFC000  }
0x68: {  	[tilespmem:s15], [sflag:$0x2] =	stream.indirect.gather @!p2 [hbm4b:s1+s0], $0x80, s6, s0, $0xb8;
	[tilespmem:$0x1A400] =	vst v63  }
0x69: {  	_ =	swait.ge [sflag:s18], $0x4000  }
0x6a: {  	[sflag:s18] =	ssyncset.done $0x0  }
0x6b: {  	s20 =	sadd.s32 $0x1000, s14;
	s6 =	simm.s32 @p2 $0x4;
	[sflag:s18] =	ssyncadd.s32 $0xFFFFC000  }
0x6c: {  	[hbm4b:s20+s4] =	stream.linear.scatter [tilespmem:s13], [sflag:$0x8], $0x4000, $0x38;
	[tilespmem:$0x1A400] =	vst v63  }
0x6d: {  	_ =	swait.ge @p2 [sflag:s6], $0x4000  }
0x6e: {  	s14 =	simm.s32 @!p2 $0x8;
	[sflag:s6] =	ssyncset.done @p2 $0x0  }
0x6f: {  	s5 =	rddreg [dreg:$0x5];
	[sflag:s6] =	ssyncadd.s32 @p2 $0xFFFFC000;
	s6 =	simm.s32 @p2 $0x12400  }
0x70: {  	[hbm4b:s5+s8] =	stream.linear.scatter @p2 [tilespmem:s6], [sflag:$0x9], $0x4000, $0x38;
	[tilespmem:$0x1A400] =	vst v63  }
0x71: {  	_ =	swait.ge @!p2 [sflag:s14], $0x4000  }
0x72: {  	[sflag:s14] =	ssyncset.done @!p2 $0x0  }
0x73: {  	s5 =	simm.s32 @!p2 $0xE400;
	s6 =	simm.s32 @!p2 $0x4;
	[sflag:s14] =	ssyncadd.s32 @!p2 $0xFFFFC000  }
0x74: {  	[tilespmem:s5], [sflag:$0x3] =	stream.indirect.gather @!p2 [hbm4b:s1+s0], $0x80, s11, s0, $0xb8;
	[tilespmem:$0x1A400] =	vst v63  }
0x75: {  	_ =	swait.ge @!p2 [sflag:s6], $0x4000  }
0x76: {  	s2 =	sadd.s32 @!p2 $0x1800, s2;
	[sflag:s6] =	ssyncset.done @!p2 $0x0  }
0x77: {  	s5 =	simm.s32 @!p2 $0x12400;
	[sflag:s6] =	ssyncadd.s32 @!p2 $0xFFFFC000;
	s6 =	simm.s32 @!p2 $0x9  }
0x78: {  	[hbm4b:s2+s12] =	stream.linear.scatter @!p2 [tilespmem:s5], [sflag:$0x9], $0x4000, $0x38;
	[tilespmem:$0x1A400] =	vst v63  }
0x79: {  	s29 =	sadd.s32 $0xA00, s29;
	_ =	swait.ge @!p2 [sflag:s6], $0x4000  }
0x7a: {  	p1 =	sne.s32 s29, $0x19000;
	[sflag:s6] =	ssyncset.done @!p2 $0x0  }
.Ltmp0:
0x7b: {  	[sflag:s6] =	ssyncadd.s32 @!p2 $0xFFFFC000;
	(pc) =	sbr.rel @p1 .LBB2_2-.Ltmp0, $4  }
0x7c: {  	[tilespmem:s5], [sflag:$0x4] =	stream.indirect.gather @!p2 [hbm4b:s1+s0], $0x80, s31, s0, $0xb8;
	[tilespmem:$0x1A400] =	vst v63  }
0x7d: {  	_ =	swait.ge [sflag:s19], $0x4000  }
0x7e: {  	s30 =	smov.u32 s26;
	s26 =	sadd.s32 $0x2800, s26;
	[sflag:s19] =	ssyncset.done $0x0  }
0x7f: {  	s0 =	simm.s32 @!p0 $0xA;
	s2 =	rddreg [dreg:$0x6];
	[sflag:s19] =	ssyncadd.s32 $0xFFFFC000  }
0x80: {  	s2 =	sadd.s32 s30, s2  }
0x81: {  	[hbm4b:s2+s4] =	stream.linear.scatter [tilespmem:s16], [sflag:$0xA], $0x4000, $0x38;
	[tilespmem:$0x1A400] =	vst v63  }
0x82: {  	_ =	swait.ge @!p0 [sflag:s0], $0x4000  }
0x83: {  	s14 =	sshra.s32 s28, $0x2;
	[sflag:s0] =	ssyncset.done @!p0 $0x0  }
0x84: {  	s15 =	sadd.s32 $0x200, s14;
	[sflag:s0] =	ssyncadd.s32 @!p0 $0xFFFFC000  }
0x85: {  	[tilespmem:s16], [sflag:$0x5] =	stream.indirect.gather [hbm4b:s1+s9], $0x80, s15, s9, $0xb8;
	[tilespmem:$0x1A400] =	vst v63  }
0x86: {  	_ =	swait.ge [sflag:s17], $0x4000  }
0x87: {  	p0 =	seq.s32 s28, $0x18600;
	[sflag:s17] =	ssyncset.done $0x0  }
0x88: {  	s20 =	sadd.s32 s26, s7;
	s2 =	simm.s32 @p0 $0x2;
	[sflag:s17] =	ssyncadd.s32 $0xFFFFC000  }
0x89: {  	[hbm4b:s20+s4] =	stream.linear.scatter [tilespmem:s10], [sflag:$0x6], $0x4000, $0x38;
	[tilespmem:$0x1A400] =	vst v63  }
0x8a: {  	_ =	swait.ge @p0 [sflag:s2], $0x4000  }
0x8b: {  	s6 =	simm.s32 @p0 $0xA400;
	s8 =	simm.s32 @!p0 $0x6;
	[sflag:s2] =	ssyncset.done @p0 $0x0  }
0x8c: {  	s5 =	rddreg [dreg:$0x4];
	[sflag:s2] =	ssyncadd.s32 @p0 $0xFFFFC000;
	s2 =	simm.s32 @p0 $0x0  }
0x8d: {  	[hbm4b:s5+s2] =	stream.linear.scatter @p0 [tilespmem:s6], [sflag:$0x7], $0x4000, $0x38;
	[tilespmem:$0x1A400] =	vst v63  }
0x8e: {  	s11 =	simm.s32 @!p0 $0x80;
	_ =	swait.ge @!p0 [sflag:s8], $0x4000  }
0x8f: {  	s12 =	simm.s32 @!p0 $0x6400;
	s5 =	sshra.s32 @!p0 s28, $0x2;
	[sflag:s8] =	ssyncset.done @!p0 $0x0  }
0x90: {  	s6 =	sadd.s32 @!p0 $0x280, s5;
	[sflag:s8] =	ssyncadd.s32 @!p0 $0xFFFFC000;
	s8 =	simm.s32 @!p0 $0x2  }
0x91: {  	[tilespmem:s12], [sflag:$0x1] =	stream.indirect.gather @!p0 [hbm4b:s1+s11], $0x80, s6, s11, $0xb8;
	[tilespmem:$0x1A400] =	vst v63  }
0x92: {  	_ =	swait.ge @!p0 [sflag:s8], $0x4000  }
0x93: {  	s14 =	simm.s32 @!p0 $0x0;
	s6 =	sadd.s32 @!p0 s26, s7;
	[sflag:s8] =	ssyncset.done @!p0 $0x0  }
0x94: {  	s12 =	sadd.s32 @!p0 $0x800, s6;
	[sflag:s8] =	ssyncadd.s32 @!p0 $0xFFFFC000;
	s8 =	simm.s32 @!p0 $0xA400  }
0x95: {  	[hbm4b:s12+s14] =	stream.linear.scatter @!p0 [tilespmem:s8], [sflag:$0x7], $0x4000, $0x38;
	[tilespmem:$0x1A400] =	vst v63  }
0x96: {  	s12 =	simm.s32 @!p0 $0x7  }
0x97: {  	_ =	swait.ge @!p0 [sflag:s12], $0x4000  }
0x98: {  	[sflag:s12] =	ssyncset.done @!p0 $0x0  }
0x99: {  	[sflag:s12] =	ssyncadd.s32 @!p0 $0xFFFFC000;
	s12 =	sadd.s32 @!p0 $0x300, s5  }
0x9a: {  	[tilespmem:s8], [sflag:$0x2] =	stream.indirect.gather @!p0 [hbm4b:s1+s11], $0x80, s12, s11, $0xb8;
	[tilespmem:$0x1A400] =	vst v63  }
0x9b: {  	_ =	swait.ge [sflag:s18], $0x4000  }
0x9c: {  	[sflag:s18] =	ssyncset.done $0x0  }
0x9d: {  	s0 =	sadd.s32 $0x1000, s20;
	s8 =	simm.s32 @p0 $0x4;
	[sflag:s18] =	ssyncadd.s32 $0xFFFFC000  }
0x9e: {  	[hbm4b:s0+s4] =	stream.linear.scatter [tilespmem:s13], [sflag:$0x8], $0x4000, $0x38;
	[tilespmem:$0x1A400] =	vst v63  }
0x9f: {  	_ =	swait.ge @p0 [sflag:s8], $0x4000  }
0xa0: {  	[sflag:s8] =	ssyncset.done @p0 $0x0  }
0xa1: {  	s0 =	rddreg [dreg:$0x5];
	[sflag:s8] =	ssyncadd.s32 @p0 $0xFFFFC000;
	s8 =	simm.s32 @p0 $0x12400  }
0xa2: {  	[hbm4b:s0+s2] =	stream.linear.scatter @p0 [tilespmem:s8], [sflag:$0x9], $0x4000, $0x38;
	[tilespmem:$0x1A400] =	vst v63  }
0xa3: {  	s0 =	simm.s32 @!p0 $0x8  }
0xa4: {  	_ =	swait.ge @!p0 [sflag:s0], $0x4000  }
0xa5: {  	[sflag:s0] =	ssyncset.done @!p0 $0x0  }
0xa6: {  	s2 =	sadd.s32 @!p0 $0x380, s5;
	[sflag:s0] =	ssyncadd.s32 @!p0 $0xFFFFC000;
	s0 =	simm.s32 @!p0 $0xE400  }
0xa7: {  	[tilespmem:s0], [sflag:$0x3] =	stream.indirect.gather @!p0 [hbm4b:s1+s11], $0x80, s2, s11, $0xb8;
	[tilespmem:$0x1A400] =	vst v63  }
0xa8: {  	s0 =	simm.s32 @!p0 $0x4  }
0xa9: {  	_ =	swait.ge @!p0 [sflag:s0], $0x4000  }
0xaa: {  	[sflag:s0] =	ssyncset.done @!p0 $0x0  }
0xab: {  	s2 =	sadd.s32 @!p0 $0x1800, s6;
	[sflag:s0] =	ssyncadd.s32 @!p0 $0xFFFFC000;
	s0 =	simm.s32 @!p0 $0x12400  }
0xac: {  	[hbm4b:s2+s14] =	stream.linear.scatter @!p0 [tilespmem:s0], [sflag:$0x9], $0x4000, $0x38;
	[tilespmem:$0x1A400] =	vst v63  }
0xad: {  	s2 =	simm.s32 @!p0 $0x9  }
0xae: {  	_ =	swait.ge @!p0 [sflag:s2], $0x4000  }
0xaf: {  	[sflag:s2] =	ssyncset.done @!p0 $0x0  }
0xb0: {  	[sflag:s2] =	ssyncadd.s32 @!p0 $0xFFFFC000;
	s2 =	sadd.s32 @!p0 $0x400, s5  }
0xb1: {  	[tilespmem:s0], [sflag:$0x4] =	stream.indirect.gather @!p0 [hbm4b:s1+s11], $0x80, s2, s11, $0xb8;
	[tilespmem:$0x1A400] =	vst v63  }
0xb2: {  	_ =	swait.ge [sflag:s19], $0x4000  }
0xb3: {  	s29 =	rddreg [dreg:$0x6];
	[sflag:s19] =	ssyncset.done $0x0  }
0xb4: {  	s30 =	simm.s32 $0x6;
	s0 =	sadd.s32 s26, s29;
	[sflag:s19] =	ssyncadd.s32 $0xFFFFC000  }
0xb5: {  	[hbm4b:s0+s4] =	stream.linear.scatter [tilespmem:s16], [sflag:$0xA], $0x4000, $0x38;
	[tilespmem:$0x1A400] =	vst v63  }
0xb6: {  	_ =	swait.ge [sflag:s30], $0x4000  }
0xb7: {  	[sflag:s30] =	ssyncset.done $0x0  }
0xb8: {  	[sflag:s30] =	ssyncadd.s32 $0xFFFFC000  }
0xb9: {  	_ =	swait.ge [sflag:s21], $0x4000  }
0xba: {  	[sflag:s21] =	ssyncset.done $0x0  }
0xbb: {  	[sflag:s21] =	ssyncadd.s32 $0xFFFFC000  }
0xbc: {  	_ =	swait.ge [sflag:s22], $0x4000  }
0xbd: {  	[sflag:s22] =	ssyncset.done $0x0  }
0xbe: {  	[sflag:s22] =	ssyncadd.s32 $0xFFFFC000  }
0xbf: {  	_ =	swait.ge [sflag:s23], $0x4000  }
0xc0: {  	[sflag:s23] =	ssyncset.done $0x0  }
0xc1: {  	[sflag:s23] =	ssyncadd.s32 $0xFFFFC000  }
0xc2: {  	_ =	swait.ge [sflag:s24], $0x4000  }
0xc3: {  	s25 =	sadd.s32 $0x1, s25;
	s31 =	rddreg [dreg:$0x8]  }
0xc4: {  	p0 =	sne.s32 s25, s31  }
.Ltmp1:
0xc5: {  	_ = 	snop;
	(pc) =	sbr.rel @p0 .LBB2_1-.Ltmp1, $3  }
0xc6: {  	_ =	sdelay $0x1  }
0xc7: {  	[sflag:s24] =	ssyncset.done $0x0  }
0xc8: {  	[sflag:s24] =	ssyncadd.s32 $0xFFFFC000  }
0xc9: {  	_ =	sfence.sel $0x180000  }
0xca: {  	[bflag:$0x0] =	sbarrier.arrive $0xFFFF  }
0xcb: {  	_ =	strace $0x90000047  }
0xcc: {  	s0 =	stileid.u32;
	[bflag:$0x2] =	sbarrier.arrive $0xFFFF  }
0xcd: {  	p0 =	sne.s32 s0, $0x0;
	s0 =	rddreg [dreg:$0x3]  }
0xce: {  	s0 =	sadd.s32 @!p0 $0x100000, s0  }
0xcf: {  	[sflag:s0] =	ssyncadd.tile.s32 @!p0 $0x1;
	_ =	shalt  }
.Lfunc_end2:
_tile_overlayer_lowered:
.L_overlay_start_2:
0xd0: {  	(tag) =	ssettag $0x2  }
0xd1: {  	s0 =	rddreg [dreg:$0x0];
	s2 =	stileid.u32  }
0xd2: {  	s1 =	rddreg [dreg:$0x1];
	p0 =	sne.s32 s2, $0x0  }
0xd3: {  	s3 =	rddreg [dreg:$0x2];
	[bflag:$0x3] =	sbarrier.arrive $0xFFFF;
	s2 =	simm.s32 @!p0 $0x1C0B  }
0xd4: {  	[timem:s3], [sflag:s2] =	dma.local @!p0 [hbm:s0], s1  }
0xd5: {  	s0 =	simm.s32 @!p0 $0xB  }
0xd6: {  	_ =	swait.ge @!p0 [sflag:s0], s1  }
0xd7: {  	s1 =	ssub.s32 @!p0 $0x0, s1;
	[sflag:s0] =	ssyncset.done @!p0 $0x0  }
0xd8: {  	[sflag:s0] =	ssyncadd.s32 @!p0 s1  }
0xd9: {  	[bflag:$0x3] =	sbarrier.arrive $0xFFFF  }
0xda: {  	_ =	shalt  }

</sc_bundles>
